<compile_context>
chip_gen: v7x
topology: tpu7x:2x2x1
jax: 0.10.2.dev20260603
libtpu: 0.0.44.dev20260713+nightly
codegen_flags: <defaults>
</compile_context>

<pallas_src>
import functools

import jax
import jax.numpy as jnp
from jax import lax
from jax.experimental import pallas as pl
from jax.experimental.pallas import tpu as pltpu
from jax.experimental.pallas import tpu_sc as plsc

N_NODES = 10000
N_EDGES = 320000
D = 128
HID = 128
OUT = 10
GRID_SIZE = 5
SPLINE_ORDER = 3
COEF = GRID_SIZE + SPLINE_ORDER

NC = 2
NS = 16
NW = NC * NS
CHUNK = 128
CNT = 80
GRP = 8
E_PAD = NW * CNT * CHUNK
H_AUG = N_NODES + (E_PAD - N_EDGES)
ACC_ROWS = 10112
ROWS_PER_TILE = ACC_ROWS // NS

KNOTS = [0.4 * i - 2.2 for i in range(GRID_SIZE + 2 * SPLINE_ORDER + 1)]


NB = 2


STRIPE_PIECES = [CHUNK] * (ROWS_PER_TILE // CHUNK) + [ROWS_PER_TILE % CHUNK]


def _sc_scatter_body(h_hbm, row_hbm, col_hbm, out_hbm,
                     row_v, col_v, bufs, gsems, isems, jsems, acc_sh):
  c = lax.axis_index("c")
  s = lax.axis_index("s")
  wid = c * NS + s

  def zrow(r, carry):
    for q in range(D // 16):
      bufs[0][r, pl.ds(q * 16, 16)] = jnp.zeros((16,), jnp.float32)
    return carry

  lax.fori_loop(0, CHUNK, zrow, 0, unroll=False)
  off = s * ROWS_PER_TILE
  for n in STRIPE_PIECES:
    pltpu.sync_copy(bufs[0].at[pl.ds(0, n)], acc_sh.at[pl.ds(off, n)])
    off = off + n
  plsc.subcore_barrier()

  def idx_start(sl, g):
    pltpu.async_copy(row_hbm.at[wid, pl.ds(g * GRP, GRP)], row_v.at[sl],
                     isems[sl])
    pltpu.async_copy(col_hbm.at[wid, pl.ds(g * GRP, GRP)], col_v.at[sl],
                     jsems[sl])

  def idx_wait(sl, g):
    pltpu.make_async_copy(row_hbm.at[wid, pl.ds(g * GRP, GRP)],
                          row_v.at[sl], isems[sl]).wait()
    pltpu.make_async_copy(col_hbm.at[wid, pl.ds(g * GRP, GRP)],
                          col_v.at[sl], jsems[sl]).wait()

  idx_start(0, 0)

  def pair(p, carry):
    for sl in range(2):
      g = 2 * p + sl
      idx_wait(sl, g)
      idx_start(1 - sl, g + 1)
      descs = [None] * GRP
      for b in range(NB):
        descs[b] = pltpu.async_copy(h_hbm.at[col_v.at[sl, b]], bufs[b],
                                    gsems[b])
      for b in range(GRP):
        bsl = b % NB
        descs[b].wait()
        pltpu.sync_copy(bufs[bsl], acc_sh.at[row_v.at[sl, b]], add=True)
        if b + NB < GRP:
          descs[b + NB] = pltpu.async_copy(h_hbm.at[col_v.at[sl, b + NB]],
                                           bufs[bsl], gsems[bsl])
    return carry

  n_pairs = CNT // (2 * GRP)
  lax.fori_loop(0, n_pairs, pair, 0, unroll=False)
  idx_wait(0, 2 * n_pairs)
  plsc.subcore_barrier()

  off = s * ROWS_PER_TILE
  wdescs = [None, None]
  for q, n in enumerate(STRIPE_PIECES):
    bsl = q % NB
    if wdescs[bsl] is not None:
      wdescs[bsl].wait()
    pltpu.sync_copy(acc_sh.at[pl.ds(off, n)], bufs[bsl].at[pl.ds(0, n)])
    wdescs[bsl] = pltpu.async_copy(bufs[bsl].at[pl.ds(0, n)],
                                   out_hbm.at[c, pl.ds(off, n)], gsems[bsl])
    off = off + n
  for d in wdescs:
    if d is not None:
      d.wait()


@jax.jit
def _sc_scatter(h, row_r, col_r):
  mesh = plsc.VectorSubcoreMesh(core_axis_name="c", subcore_axis_name="s")
  fn = pl.kernel(
      _sc_scatter_body,
      out_type=jax.ShapeDtypeStruct((NC, ACC_ROWS, D), jnp.float32),
      mesh=mesh,
      scratch_types=[
          pltpu.VMEM((2, GRP, CHUNK), jnp.int32),
          pltpu.VMEM((2, GRP, CHUNK), jnp.int32),
          tuple(pltpu.VMEM((CHUNK, D), jnp.float32) for _ in range(NB)),
          tuple(pltpu.SemaphoreType.DMA for _ in range(NB)),
          tuple(pltpu.SemaphoreType.DMA for _ in range(2)),
          tuple(pltpu.SemaphoreType.DMA for _ in range(2)),
          pltpu.VMEM_SHARED((ACC_ROWS, D), jnp.float32),
      ],
  )
  return fn(h, row_r, col_r)


def _bspline_bases(x):
  t = x * 2.5 + 5.5
  m = jnp.floor(t)
  f = t - m
  f2 = f * f
  f3 = f2 * f
  w3 = f3 * (1.0 / 6.0)
  w0 = (1.0 / 6.0) - 0.5 * f + 0.5 * f2 - w3
  w2 = (1.0 / 6.0) + 0.5 * f + 0.5 * f2 - 0.5 * f3
  w1 = (2.0 / 3.0) - f2 + 0.5 * f3
  msk = [m == float(cc) for cc in range(11)]
  zero = jnp.zeros_like(x)
  ws = (w3, w2, w1, w0)

  def sel(c, w):
    return jnp.where(msk[c], w, zero) if 0 <= c <= 10 else zero

  out = []
  for j in range(COEF):
    b = sel(j, w3)
    for k in range(1, 4):
      b = b + sel(j + k, ws[k])
    out.append(b)
  return out


def _dense1_body(scale_ref, p0_ref, p1_ref, h_ref, bwt_ref, swt_ref,
                 y_ref, sums_ref):
  pid = pl.program_id(0)
  pooled = (p0_ref[0] + p1_ref[0]) + scale_ref[0] * h_ref[...]
  silu = pooled * jax.nn.sigmoid(pooled)
  y = jnp.dot(silu, bwt_ref[...], preferred_element_type=jnp.float32)
  bases = _bspline_bases(pooled)
  for j in range(COEF):
    y = y + jnp.dot(bases[j], swt_ref[j], preferred_element_type=jnp.float32)
  y_ref[...] = y

  ssum = jnp.sum(y, axis=0)
  ssq = jnp.sum(y * y, axis=0)
  upd = jnp.concatenate(
      [ssum[None], ssq[None], jnp.zeros((6, y.shape[1]), jnp.float32)], axis=0)

  @pl.when(pid == 0)
  def _():
    sums_ref[...] = jnp.zeros_like(sums_ref)

  sums_ref[...] += upd


def _dense1(scale, partials, h, bwt, swt, block):
  nblk = N_NODES // block
  return pl.pallas_call(
      _dense1_body,
      grid=(nblk,),
      in_specs=[
          pl.BlockSpec(memory_space=pltpu.SMEM),
          pl.BlockSpec((1, block, D), lambda i: (0, i, 0)),
          pl.BlockSpec((1, block, D), lambda i: (1, i, 0)),
          pl.BlockSpec((block, D), lambda i: (i, 0)),
          pl.BlockSpec((D, HID), lambda i: (0, 0)),
          pl.BlockSpec((COEF, D, HID), lambda i: (0, 0, 0)),
      ],
      out_specs=[
          pl.BlockSpec((block, HID), lambda i: (i, 0)),
          pl.BlockSpec((8, HID), lambda i: (0, 0)),
      ],
      out_shape=[
          jax.ShapeDtypeStruct((N_NODES, HID), jnp.float32),
          jax.ShapeDtypeStruct((8, HID), jnp.float32),
      ],
  )(scale, partials, partials, h, bwt, swt)


def _bn_relu_body(y_ref, sums_ref, gamma_ref, beta_ref, o_ref):
  inv_n = 1.0 / N_NODES
  mean = sums_ref[0:1, :] * inv_n
  var = sums_ref[1:2, :] * inv_n - mean * mean
  inv = lax.rsqrt(var + 1e-5) * gamma_ref[...]
  o_ref[...] = jnp.maximum((y_ref[...] - mean) * inv + beta_ref[...], 0.0)


def _bn_relu(y, sums, gamma, beta, block):
  nblk = N_NODES // block
  return pl.pallas_call(
      _bn_relu_body,
      grid=(nblk,),
      in_specs=[
          pl.BlockSpec((block, HID), lambda i: (i, 0)),
          pl.BlockSpec((8, HID), lambda i: (0, 0)),
          pl.BlockSpec((1, HID), lambda i: (0, 0)),
          pl.BlockSpec((1, HID), lambda i: (0, 0)),
      ],
      out_specs=pl.BlockSpec((block, HID), lambda i: (i, 0)),
      out_shape=jax.ShapeDtypeStruct((N_NODES, HID), jnp.float32),
  )(y, sums, gamma, beta)


def _bn_relu_clf_body(y_ref, sums_ref, gamma_ref, beta_ref, cw_ref, cb_ref,
                      o_ref):
  inv_n = 1.0 / N_NODES
  mean = sums_ref[0:1, :] * inv_n
  var = sums_ref[1:2, :] * inv_n - mean * mean
  inv = lax.rsqrt(var + 1e-5) * gamma_ref[...]
  h = jnp.maximum((y_ref[...] - mean) * inv + beta_ref[...], 0.0)
  o_ref[...] = jnp.dot(h, cw_ref[...], preferred_element_type=jnp.float32) \
      + cb_ref[...]


def _bn_relu_clf(y, sums, gamma, beta, cw_pad, cb_pad, block):
  nblk = N_NODES // block
  return pl.pallas_call(
      _bn_relu_clf_body,
      grid=(nblk,),
      in_specs=[
          pl.BlockSpec((block, HID), lambda i: (i, 0)),
          pl.BlockSpec((8, HID), lambda i: (0, 0)),
          pl.BlockSpec((1, HID), lambda i: (0, 0)),
          pl.BlockSpec((1, HID), lambda i: (0, 0)),
          pl.BlockSpec((HID, 128), lambda i: (0, 0)),
          pl.BlockSpec((1, 128), lambda i: (0, 0)),
      ],
      out_specs=pl.BlockSpec((block, 128), lambda i: (i, 0)),
      out_shape=jax.ShapeDtypeStruct((N_NODES, 128), jnp.float32),
  )(y, sums, gamma, beta, cw_pad, cb_pad)


BLOCK = 2000


def kernel(x, edge_index, eps, kan0_base, kan0_spline, kan1_base, kan1_spline,
           bn0_gamma, bn0_beta, bn1_gamma, bn1_beta, clf_w, clf_b):
  row = edge_index[0].astype(jnp.int32)
  col = edge_index[1].astype(jnp.int32)
  pad = E_PAD - N_EDGES
  pad_rows = jnp.arange(pad, dtype=jnp.int32) % N_NODES

  def _split(v, tail):
    out = jnp.concatenate([v, tail]).reshape(NW, CNT, CHUNK)
    return jnp.pad(out, ((0, 0), (0, GRP), (0, 0)))

  row_r = _split(row, pad_rows)
  col_r = _split(col, N_NODES + jnp.arange(pad, dtype=jnp.int32))
  zrows = jnp.zeros((H_AUG - N_NODES, D), jnp.float32)

  bwts = [kan0_base.T, kan1_base.T]
  swts = [kan0_spline.transpose(2, 1, 0), kan1_spline.transpose(2, 1, 0)]
  gammas = [bn0_gamma.reshape(1, HID), bn1_gamma.reshape(1, HID)]
  betas = [bn0_beta.reshape(1, HID), bn1_beta.reshape(1, HID)]
  cw_pad = jnp.zeros((HID, 128), jnp.float32).at[:, :OUT].set(clf_w.T)
  cb_pad = jnp.zeros((1, 128), jnp.float32).at[0, :OUT].set(clf_b)

  h = x
  for layer in range(2):
    h_aug = jnp.concatenate([h, zrows], axis=0)
    partials = _sc_scatter(h_aug, row_r, col_r)
    scale = (1.0 + eps[layer]).reshape(1)
    y, sums = _dense1(scale, partials, h, bwts[layer], swts[layer], BLOCK)
    if layer == 0:
      h = _bn_relu(y, sums, gammas[layer], betas[layer], BLOCK)
    else:
      logits_pad = _bn_relu_clf(y, sums, gammas[layer], betas[layer],
                                cw_pad, cb_pad, BLOCK)
  return logits_pad[:, :OUT]

# --- scband reference (transcript-rebuilt; emitter-appended) ---
"""Pipeline reference for scband-gin-kan-69097433858366 (READ-ONLY COPY).

The authoritative reference and input builder live on the scoring server;
editing this copy changes nothing except your own understanding.
"""

import jax, jax.numpy as jnp
import numpy as np

N_NODES = 10000
N_EDGES = 320000
D = 128
HID = 128
OUT = 10
NUM_LAYERS = 3
GRID_SIZE = 5
SPLINE_ORDER = 3


def make_grid(in_dim, grid_size=GRID_SIZE, spline_order=SPLINE_ORDER):
    h = 2.0 / grid_size
    g1 = jnp.arange(-spline_order, grid_size + spline_order + 1, dtype=jnp.float32) * h - 1.0
    return jnp.tile(g1[None, :], (in_dim, 1))  # [in, grid_size + 2*spline_order + 1]


def b_splines(x, grid, spline_order=SPLINE_ORDER):
    # x: [N, in], grid: [in, G]
    x = x[..., None]  # [N, in, 1]
    bases = ((x >= grid[:, :-1]) & (x < grid[:, 1:])).astype(x.dtype)
    for k in range(1, spline_order + 1):
        left = (x - grid[:, : -(k + 1)]) / (grid[:, k:-1] - grid[:, : -(k + 1)]) * bases[..., :-1]
        right = (grid[:, k + 1:] - x) / (grid[:, k + 1:] - grid[:, 1:-k]) * bases[..., 1:]
        bases = left + right
    return bases  # [N, in, grid_size + spline_order]


def kan_linear(x, base_w, spline_w, grid):
    # efficient-KAN style: silu base branch + B-spline branch
    base = (x * jax.nn.sigmoid(x)) @ base_w.T
    bs = b_splines(x, grid)
    n = x.shape[0]
    spline = bs.reshape(n, -1) @ spline_w.reshape(spline_w.shape[0], -1).T
    return base + spline


def setup_inputs(seed: int = 0) -> dict:
    key = jax.random.key(seed)
    ks = jax.random.split(key, 16)
    coef = GRID_SIZE + SPLINE_ORDER
    inp = {
        "x": jax.random.normal(ks[0], (N_NODES, D), dtype=jnp.float32),
        "edge_index": jax.random.randint(ks[1], (2, N_EDGES), 0, N_NODES, dtype=jnp.int64),
        "eps": jnp.zeros((NUM_LAYERS - 1,), dtype=jnp.float32),
        "kan0_base": jax.random.normal(ks[2], (HID, D), dtype=jnp.float32) * (1.0 / np.sqrt(D)),
        "kan0_spline": jax.random.normal(ks[3], (HID, D, coef), dtype=jnp.float32) * 0.02,
        "kan1_base": jax.random.normal(ks[4], (HID, HID), dtype=jnp.float32) * (1.0 / np.sqrt(HID)),
        "kan1_spline": jax.random.normal(ks[5], (HID, HID, coef), dtype=jnp.float32) * 0.02,
        "bn0_gamma": jnp.ones((HID,), dtype=jnp.float32),
        "bn0_beta": jnp.zeros((HID,), dtype=jnp.float32),
        "bn1_gamma": jnp.ones((HID,), dtype=jnp.float32),
        "bn1_beta": jnp.zeros((HID,), dtype=jnp.float32),
        "clf_w": jax.random.normal(ks[6], (OUT, HID), dtype=jnp.float32) * (1.0 / np.sqrt(HID)),
        "clf_b": jnp.zeros((OUT,), dtype=jnp.float32),
    }
    return inp


def reference(x, edge_index, eps, kan0_base, kan0_spline, kan1_base, kan1_spline,
              bn0_gamma, bn0_beta, bn1_gamma, bn1_beta, clf_w, clf_b):
    grid = make_grid(D)
    base_ws = [kan0_base, kan1_base]
    spline_ws = [kan0_spline, kan1_spline]
    gammas = [bn0_gamma, bn1_gamma]
    betas = [bn0_beta, bn1_beta]
    row = edge_index[0]
    col = edge_index[1]
    h = x
    for layer in range(NUM_LAYERS - 1):
        # sparse Adj @ h  (sum neighbor pooling; learn_eps=True so no self loops in Adj)
        pooled = jnp.zeros_like(h).at[row].add(h[col])
        pooled = pooled + (1.0 + eps[layer]) * h
        pooled_rep = kan_linear(pooled, base_ws[layer], spline_ws[layer], grid)
        # BatchNorm1d (training-style batch statistics)
        mean = pooled_rep.mean(axis=0)
        var = pooled_rep.var(axis=0)
        pooled_rep = (pooled_rep - mean) / jnp.sqrt(var + 1e-5) * gammas[layer] + betas[layer]
        h = jax.nn.relu(pooled_rep)
    logits = h @ clf_w.T + clf_b
    return logits

if __name__ == "__main__":
    import jax
    _d = setup_inputs()
    print(jax.jit(kernel)(*tuple(_d.values())))

</pallas_src>

<mosaic_0001>
#map = affine_map<(d0, d1) -> (0, 0)>
#map1 = affine_map<(d0, d1) -> (0, 0, 0)>
module attributes {stable_mosaic.version = 14 : i64} {
  func.func @_sc_scatter_body(%arg0: i32, %arg1: i32, %arg2: memref<17680x128xf32, #tpu.memory_space<hbm>>, %arg3: memref<32x88x128xi32, #tpu.memory_space<hbm>>, %arg4: memref<32x88x128xi32, #tpu.memory_space<hbm>>, %arg5: memref<2x10112x128xf32, #tpu.memory_space<hbm>>, %arg6: memref<2x8x128xi32, #tpu.memory_space<vmem>>, %arg7: memref<2x8x128xi32, #tpu.memory_space<vmem>>, %arg8: memref<128x128xf32, #tpu.memory_space<vmem>>, %arg9: memref<128x128xf32, #tpu.memory_space<vmem>>, %arg10: memref<!tpu.dma_semaphore, #tpu.memory_space<semaphore_mem>>, %arg11: memref<!tpu.dma_semaphore, #tpu.memory_space<semaphore_mem>>, %arg12: memref<!tpu.dma_semaphore, #tpu.memory_space<semaphore_mem>>, %arg13: memref<!tpu.dma_semaphore, #tpu.memory_space<semaphore_mem>>, %arg14: memref<!tpu.dma_semaphore, #tpu.memory_space<semaphore_mem>>, %arg15: memref<!tpu.dma_semaphore, #tpu.memory_space<semaphore_mem>>, %arg16: memref<10112x128xf32, #tpu.memory_space<vmem_shared>>) attributes {dimension_semantics = [#tpu.dimension_semantics<core_parallel>, #tpu.dimension_semantics<subcore_parallel>], iteration_bounds = array<i64: 2, 16>, scalar_prefetch = 0 : i64, scratch_operands = 11 : i64, tpu.core_type = #tpu.core_type<sc_vector_subcore>, window_params = [{transform_indices = #map}, {transform_indices = #map1}, {transform_indices = #map1}, {transform_indices = #map1}]} {
    %mul3A = arith.constant 16 : i32
    %mul3A_0 = arith.muli %arg0, %mul3A : i32
    %add3A = arith.addi %mul3A_0, %arg1 : i32
    %scan3A = arith.constant 0 : i32
    %scan3A_1 = arith.constant 0 : i32
    %scan3A_2 = arith.constant 128 : i32
    %scan3A_3 = arith.addi %scan3A_1, %scan3A_2 : i32
    %scan3A_4 = arith.constant 1 : i32
    scf.for %scan3A_223 = %scan3A_1 to %scan3A_3 step %scan3A_4  : i32 {
      %broadcast_in_dim3A = arith.constant 0.000000e+00 : f32
      %broadcast_in_dim3A_224 = vector.broadcast %broadcast_in_dim3A : f32 to vector<16xf32>
      %swap3A = arith.index_cast %scan3A_223 : i32 to index
      %swap3A_225 = arith.constant 0 : index
      %swap3A_226 = tpu.vector_load %arg8[%swap3A, %swap3A_225] {strides = array<i32>} : memref<128x128xf32, #tpu.memory_space<vmem>>, vector<1x16xf32>,
      %swap3A_227 = vector.shape_cast %swap3A_226 : vector<1x16xf32> to vector<16xf32>
      %swap3A_228 = vector.shape_cast %broadcast_in_dim3A_224 : vector<16xf32> to vector<1x16xf32>
      tpu.vector_store %arg8[%swap3A, %swap3A_225], %swap3A_228 {strides = array<i32>} : memref<128x128xf32, #tpu.memory_space<vmem>>, vector<1x16xf32>,
      %broadcast_in_dim3A_229 = arith.constant 0.000000e+00 : f32
      %broadcast_in_dim3A_230 = vector.broadcast %broadcast_in_dim3A_229 : f32 to vector<16xf32>
      %swap3A_231 = arith.index_cast %scan3A_223 : i32 to index
      %swap3A_232 = arith.constant 16 : index
      %swap3A_233 = tpu.vector_load %arg8[%swap3A_231, %swap3A_232] {strides = array<i32>} : memref<128x128xf32, #tpu.memory_space<vmem>>, vector<1x16xf32>,
      %swap3A_234 = vector.shape_cast %swap3A_233 : vector<1x16xf32> to vector<16xf32>
      %swap3A_235 = vector.shape_cast %broadcast_in_dim3A_230 : vector<16xf32> to vector<1x16xf32>
      tpu.vector_store %arg8[%swap3A_231, %swap3A_232], %swap3A_235 {strides = array<i32>} : memref<128x128xf32, #tpu.memory_space<vmem>>, vector<1x16xf32>,
      %broadcast_in_dim3A_236 = arith.constant 0.000000e+00 : f32
      %broadcast_in_dim3A_237 = vector.broadcast %broadcast_in_dim3A_236 : f32 to vector<16xf32>
      %swap3A_238 = arith.index_cast %scan3A_223 : i32 to index
      %swap3A_239 = arith.constant 32 : index
      %swap3A_240 = tpu.vector_load %arg8[%swap3A_238, %swap3A_239] {strides = array<i32>} : memref<128x128xf32, #tpu.memory_space<vmem>>, vector<1x16xf32>,
      %swap3A_241 = vector.shape_cast %swap3A_240 : vector<1x16xf32> to vector<16xf32>
      %swap3A_242 = vector.shape_cast %broadcast_in_dim3A_237 : vector<16xf32> to vector<1x16xf32>
      tpu.vector_store %arg8[%swap3A_238, %swap3A_239], %swap3A_242 {strides = array<i32>} : memref<128x128xf32, #tpu.memory_space<vmem>>, vector<1x16xf32>,
      %broadcast_in_dim3A_243 = arith.constant 0.000000e+00 : f32
      %broadcast_in_dim3A_244 = vector.broadcast %broadcast_in_dim3A_243 : f32 to vector<16xf32>
      %swap3A_245 = arith.index_cast %scan3A_223 : i32 to index
      %swap3A_246 = arith.constant 48 : index
      %swap3A_247 = tpu.vector_load %arg8[%swap3A_245, %swap3A_246] {strides = array<i32>} : memref<128x128xf32, #tpu.memory_space<vmem>>, vector<1x16xf32>,
      %swap3A_248 = vector.shape_cast %swap3A_247 : vector<1x16xf32> to vector<16xf32>
      %swap3A_249 = vector.shape_cast %broadcast_in_dim3A_244 : vector<16xf32> to vector<1x16xf32>
      tpu.vector_store %arg8[%swap3A_245, %swap3A_246], %swap3A_249 {strides = array<i32>} : memref<128x128xf32, #tpu.memory_space<vmem>>, vector<1x16xf32>,
      %broadcast_in_dim3A_250 = arith.constant 0.000000e+00 : f32
      %broadcast_in_dim3A_251 = vector.broadcast %broadcast_in_dim3A_250 : f32 to vector<16xf32>
      %swap3A_252 = arith.index_cast %scan3A_223 : i32 to index
      %swap3A_253 = arith.constant 64 : index
      %swap3A_254 = tpu.vector_load %arg8[%swap3A_252, %swap3A_253] {strides = array<i32>} : memref<128x128xf32, #tpu.memory_space<vmem>>, vector<1x16xf32>,
      %swap3A_255 = vector.shape_cast %swap3A_254 : vector<1x16xf32> to vector<16xf32>
      %swap3A_256 = vector.shape_cast %broadcast_in_dim3A_251 : vector<16xf32> to vector<1x16xf32>
      tpu.vector_store %arg8[%swap3A_252, %swap3A_253], %swap3A_256 {strides = array<i32>} : memref<128x128xf32, #tpu.memory_space<vmem>>, vector<1x16xf32>,
      %broadcast_in_dim3A_257 = arith.constant 0.000000e+00 : f32
      %broadcast_in_dim3A_258 = vector.broadcast %broadcast_in_dim3A_257 : f32 to vector<16xf32>
      %swap3A_259 = arith.index_cast %scan3A_223 : i32 to index
      %swap3A_260 = arith.constant 80 : index
      %swap3A_261 = tpu.vector_load %arg8[%swap3A_259, %swap3A_260] {strides = array<i32>} : memref<128x128xf32, #tpu.memory_space<vmem>>, vector<1x16xf32>,
      %swap3A_262 = vector.shape_cast %swap3A_261 : vector<1x16xf32> to vector<16xf32>
      %swap3A_263 = vector.shape_cast %broadcast_in_dim3A_258 : vector<16xf32> to vector<1x16xf32>
      tpu.vector_store %arg8[%swap3A_259, %swap3A_260], %swap3A_263 {strides = array<i32>} : memref<128x128xf32, #tpu.memory_space<vmem>>, vector<1x16xf32>,
      %broadcast_in_dim3A_264 = arith.constant 0.000000e+00 : f32
      %broadcast_in_dim3A_265 = vector.broadcast %broadcast_in_dim3A_264 : f32 to vector<16xf32>
      %swap3A_266 = arith.index_cast %scan3A_223 : i32 to index
      %swap3A_267 = arith.constant 96 : index
      %swap3A_268 = tpu.vector_load %arg8[%swap3A_266, %swap3A_267] {strides = array<i32>} : memref<128x128xf32, #tpu.memory_space<vmem>>, vector<1x16xf32>,
      %swap3A_269 = vector.shape_cast %swap3A_268 : vector<1x16xf32> to vector<16xf32>
      %swap3A_270 = vector.shape_cast %broadcast_in_dim3A_265 : vector<16xf32> to vector<1x16xf32>
      tpu.vector_store %arg8[%swap3A_266, %swap3A_267], %swap3A_270 {strides = array<i32>} : memref<128x128xf32, #tpu.memory_space<vmem>>, vector<1x16xf32>,
      %broadcast_in_dim3A_271 = arith.constant 0.000000e+00 : f32
      %broadcast_in_dim3A_272 = vector.broadcast %broadcast_in_dim3A_271 : f32 to vector<16xf32>
      %swap3A_273 = arith.index_cast %scan3A_223 : i32 to index
      %swap3A_274 = arith.constant 112 : index
      %swap3A_275 = tpu.vector_load %arg8[%swap3A_273, %swap3A_274] {strides = array<i32>} : memref<128x128xf32, #tpu.memory_space<vmem>>, vector<1x16xf32>,
      %swap3A_276 = vector.shape_cast %swap3A_275 : vector<1x16xf32> to vector<16xf32>
      %swap3A_277 = vector.shape_cast %broadcast_in_dim3A_272 : vector<16xf32> to vector<1x16xf32>
      tpu.vector_store %arg8[%swap3A_273, %swap3A_274], %swap3A_277 {strides = array<i32>} : memref<128x128xf32, #tpu.memory_space<vmem>>, vector<1x16xf32>,
    }
    %scan3A_5 = arith.constant 128 : i32
    %mul3A_6 = arith.constant 632 : i32
    %mul3A_7 = arith.muli %arg1, %mul3A_6 : i32
    "tpu.region"() ({
      %run_scoped3A = tpu.sem_alloc : memref<!tpu.dma_semaphore, #tpu.memory_space<semaphore_mem>>
      %dma_start3A_223 = arith.constant 0 : i32
      %dma_start3A_224 = arith.constant 0 : i32
      %dma_start3A_225 = tpu.memref_slice %arg8[%dma_start3A_223, %dma_start3A_224] : memref<128x128xf32, #tpu.memory_space<vmem>> -> memref<128x128xf32, #tpu.memory_space<vmem>>
      %dma_start3A_226 = arith.constant 0 : i32
      %dma_start3A_227 = tpu.memref_slice %arg16[%mul3A_7, %dma_start3A_226] : memref<10112x128xf32, #tpu.memory_space<vmem_shared>> -> memref<128x128xf32, #tpu.memory_space<vmem_shared>>
      %dma_start3A_228 = arith.constant 0 : i32
      %dma_start3A_229 = tpu.memref_slice %arg16[%mul3A_7, %dma_start3A_228] : memref<10112x128xf32, #tpu.memory_space<vmem_shared>> -> memref<128x128xf32, #tpu.memory_space<vmem_shared>>
      %dma_start3A_230 = arith.constant 0 : i32
      %dma_start3A_231 = arith.constant 0 : i32
      %dma_start3A_232 = tpu.memref_slice %arg8[%dma_start3A_230, %dma_start3A_231] : memref<128x128xf32, #tpu.memory_space<vmem>> -> memref<128x128xf32, #tpu.memory_space<vmem>>
      tpu.enqueue_dma source(%dma_start3A_232 : memref<128x128xf32, #tpu.memory_space<vmem>>) target(%dma_start3A_229 : memref<128x128xf32, #tpu.memory_space<vmem_shared>>) target_semaphore(%run_scoped3A : memref<!tpu.dma_semaphore, #tpu.memory_space<semaphore_mem>>)
      %dma_wait3A_233 = arith.constant 0 : i32
      %dma_wait3A_234 = arith.constant 0 : i32
      %dma_wait3A_235 = tpu.memref_slice %arg8[%dma_wait3A_233, %dma_wait3A_234] : memref<128x128xf32, #tpu.memory_space<vmem>> -> memref<128x128xf32, #tpu.memory_space<vmem>>
      %dma_wait3A_236 = arith.constant 0 : i32
      %dma_wait3A_237 = tpu.memref_slice %arg16[%mul3A_7, %dma_wait3A_236] : memref<10112x128xf32, #tpu.memory_space<vmem_shared>> -> memref<128x128xf32, #tpu.memory_space<vmem_shared>>
      %dma_wait3A_238 = arith.constant 0 : i32
      %dma_wait3A_239 = tpu.memref_slice %arg16[%mul3A_7, %dma_wait3A_238] : memref<10112x128xf32, #tpu.memory_space<vmem_shared>> -> memref<128x128xf32, #tpu.memory_space<vmem_shared>>
      %dma_wait3A_240 = arith.constant 0 : i32
      %dma_wait3A_241 = arith.constant 0 : i32
      %dma_wait3A_242 = tpu.memref_slice %arg8[%dma_wait3A_240, %dma_wait3A_241] : memref<128x128xf32, #tpu.memory_space<vmem>> -> memref<128x128xf32, #tpu.memory_space<vmem>>
      tpu.wait_dma2 semaphore(%run_scoped3A : memref<!tpu.dma_semaphore, #tpu.memory_space<semaphore_mem>>) src(%dma_wait3A_242 : memref<128x128xf32, #tpu.memory_space<vmem>>) dst(%dma_wait3A_239 : memref<128x128xf32, #tpu.memory_space<vmem_shared>>)
      tpu.yield
    }) : () -> ()
    %add3A_8 = arith.constant 128 : i32
    %add3A_9 = arith.addi %mul3A_7, %add3A_8 : i32
    "tpu.region"() ({
      %run_scoped3A = tpu.sem_alloc : memref<!tpu.dma_semaphore, #tpu.memory_space<semaphore_mem>>
      %dma_start3A_223 = arith.constant 0 : i32
      %dma_start3A_224 = arith.constant 0 : i32
      %dma_start3A_225 = tpu.memref_slice %arg8[%dma_start3A_223, %dma_start3A_224] : memref<128x128xf32, #tpu.memory_space<vmem>> -> memref<128x128xf32, #tpu.memory_space<vmem>>
      %dma_start3A_226 = arith.constant 0 : i32
      %dma_start3A_227 = tpu.memref_slice %arg16[%add3A_9, %dma_start3A_226] : memref<10112x128xf32, #tpu.memory_space<vmem_shared>> -> memref<128x128xf32, #tpu.memory_space<vmem_shared>>
      %dma_start3A_228 = arith.constant 0 : i32
      %dma_start3A_229 = tpu.memref_slice %arg16[%add3A_9, %dma_start3A_228] : memref<10112x128xf32, #tpu.memory_space<vmem_shared>> -> memref<128x128xf32, #tpu.memory_space<vmem_shared>>
      %dma_start3A_230 = arith.constant 0 : i32
      %dma_start3A_231 = arith.constant 0 : i32
      %dma_start3A_232 = tpu.memref_slice %arg8[%dma_start3A_230, %dma_start3A_231] : memref<128x128xf32, #tpu.memory_space<vmem>> -> memref<128x128xf32, #tpu.memory_space<vmem>>
      tpu.enqueue_dma source(%dma_start3A_232 : memref<128x128xf32, #tpu.memory_space<vmem>>) target(%dma_start3A_229 : memref<128x128xf32, #tpu.memory_space<vmem_shared>>) target_semaphore(%run_scoped3A : memref<!tpu.dma_semaphore, #tpu.memory_space<semaphore_mem>>)
      %dma_wait3A_233 = arith.constant 0 : i32
      %dma_wait3A_234 = arith.constant 0 : i32
      %dma_wait3A_235 = tpu.memref_slice %arg8[%dma_wait3A_233, %dma_wait3A_234] : memref<128x128xf32, #tpu.memory_space<vmem>> -> memref<128x128xf32, #tpu.memory_space<vmem>>
      %dma_wait3A_236 = arith.constant 0 : i32
      %dma_wait3A_237 = tpu.memref_slice %arg16[%add3A_9, %dma_wait3A_236] : memref<10112x128xf32, #tpu.memory_space<vmem_shared>> -> memref<128x128xf32, #tpu.memory_space<vmem_shared>>
      %dma_wait3A_238 = arith.constant 0 : i32
      %dma_wait3A_239 = tpu.memref_slice %arg16[%add3A_9, %dma_wait3A_238] : memref<10112x128xf32, #tpu.memory_space<vmem_shared>> -> memref<128x128xf32, #tpu.memory_space<vmem_shared>>
      %dma_wait3A_240 = arith.constant 0 : i32
      %dma_wait3A_241 = arith.constant 0 : i32
      %dma_wait3A_242 = tpu.memref_slice %arg8[%dma_wait3A_240, %dma_wait3A_241] : memref<128x128xf32, #tpu.memory_space<vmem>> -> memref<128x128xf32, #tpu.memory_space<vmem>>
      tpu.wait_dma2 semaphore(%run_scoped3A : memref<!tpu.dma_semaphore, #tpu.memory_space<semaphore_mem>>) src(%dma_wait3A_242 : memref<128x128xf32, #tpu.memory_space<vmem>>) dst(%dma_wait3A_239 : memref<128x128xf32, #tpu.memory_space<vmem_shared>>)
      tpu.yield
    }) : () -> ()
    %add3A_10 = arith.constant 128 : i32
    %add3A_11 = arith.addi %add3A_9, %add3A_10 : i32
    "tpu.region"() ({
      %run_scoped3A = tpu.sem_alloc : memref<!tpu.dma_semaphore, #tpu.memory_space<semaphore_mem>>
      %dma_start3A_223 = arith.constant 0 : i32
      %dma_start3A_224 = arith.constant 0 : i32
      %dma_start3A_225 = tpu.memref_slice %arg8[%dma_start3A_223, %dma_start3A_224] : memref<128x128xf32, #tpu.memory_space<vmem>> -> memref<128x128xf32, #tpu.memory_space<vmem>>
      %dma_start3A_226 = arith.constant 0 : i32
      %dma_start3A_227 = tpu.memref_slice %arg16[%add3A_11, %dma_start3A_226] : memref<10112x128xf32, #tpu.memory_space<vmem_shared>> -> memref<128x128xf32, #tpu.memory_space<vmem_shared>>
      %dma_start3A_228 = arith.constant 0 : i32
      %dma_start3A_229 = tpu.memref_slice %arg16[%add3A_11, %dma_start3A_228] : memref<10112x128xf32, #tpu.memory_space<vmem_shared>> -> memref<128x128xf32, #tpu.memory_space<vmem_shared>>
      %dma_start3A_230 = arith.constant 0 : i32
      %dma_start3A_231 = arith.constant 0 : i32
      %dma_start3A_232 = tpu.memref_slice %arg8[%dma_start3A_230, %dma_start3A_231] : memref<128x128xf32, #tpu.memory_space<vmem>> -> memref<128x128xf32, #tpu.memory_space<vmem>>
      tpu.enqueue_dma source(%dma_start3A_232 : memref<128x128xf32, #tpu.memory_space<vmem>>) target(%dma_start3A_229 : memref<128x128xf32, #tpu.memory_space<vmem_shared>>) target_semaphore(%run_scoped3A : memref<!tpu.dma_semaphore, #tpu.memory_space<semaphore_mem>>)
      %dma_wait3A_233 = arith.constant 0 : i32
      %dma_wait3A_234 = arith.constant 0 : i32
      %dma_wait3A_235 = tpu.memref_slice %arg8[%dma_wait3A_233, %dma_wait3A_234] : memref<128x128xf32, #tpu.memory_space<vmem>> -> memref<128x128xf32, #tpu.memory_space<vmem>>
      %dma_wait3A_236 = arith.constant 0 : i32
      %dma_wait3A_237 = tpu.memref_slice %arg16[%add3A_11, %dma_wait3A_236] : memref<10112x128xf32, #tpu.memory_space<vmem_shared>> -> memref<128x128xf32, #tpu.memory_space<vmem_shared>>
      %dma_wait3A_238 = arith.constant 0 : i32
      %dma_wait3A_239 = tpu.memref_slice %arg16[%add3A_11, %dma_wait3A_238] : memref<10112x128xf32, #tpu.memory_space<vmem_shared>> -> memref<128x128xf32, #tpu.memory_space<vmem_shared>>
      %dma_wait3A_240 = arith.constant 0 : i32
      %dma_wait3A_241 = arith.constant 0 : i32
      %dma_wait3A_242 = tpu.memref_slice %arg8[%dma_wait3A_240, %dma_wait3A_241] : memref<128x128xf32, #tpu.memory_space<vmem>> -> memref<128x128xf32, #tpu.memory_space<vmem>>
      tpu.wait_dma2 semaphore(%run_scoped3A : memref<!tpu.dma_semaphore, #tpu.memory_space<semaphore_mem>>) src(%dma_wait3A_242 : memref<128x128xf32, #tpu.memory_space<vmem>>) dst(%dma_wait3A_239 : memref<128x128xf32, #tpu.memory_space<vmem_shared>>)
      tpu.yield
    }) : () -> ()
    %add3A_12 = arith.constant 128 : i32
    %add3A_13 = arith.addi %add3A_11, %add3A_12 : i32
    "tpu.region"() ({
      %run_scoped3A = tpu.sem_alloc : memref<!tpu.dma_semaphore, #tpu.memory_space<semaphore_mem>>
      %dma_start3A_223 = arith.constant 0 : i32
      %dma_start3A_224 = arith.constant 0 : i32
      %dma_start3A_225 = tpu.memref_slice %arg8[%dma_start3A_223, %dma_start3A_224] : memref<128x128xf32, #tpu.memory_space<vmem>> -> memref<128x128xf32, #tpu.memory_space<vmem>>
      %dma_start3A_226 = arith.constant 0 : i32
      %dma_start3A_227 = tpu.memref_slice %arg16[%add3A_13, %dma_start3A_226] : memref<10112x128xf32, #tpu.memory_space<vmem_shared>> -> memref<128x128xf32, #tpu.memory_space<vmem_shared>>
      %dma_start3A_228 = arith.constant 0 : i32
      %dma_start3A_229 = tpu.memref_slice %arg16[%add3A_13, %dma_start3A_228] : memref<10112x128xf32, #tpu.memory_space<vmem_shared>> -> memref<128x128xf32, #tpu.memory_space<vmem_shared>>
      %dma_start3A_230 = arith.constant 0 : i32
      %dma_start3A_231 = arith.constant 0 : i32
      %dma_start3A_232 = tpu.memref_slice %arg8[%dma_start3A_230, %dma_start3A_231] : memref<128x128xf32, #tpu.memory_space<vmem>> -> memref<128x128xf32, #tpu.memory_space<vmem>>
      tpu.enqueue_dma source(%dma_start3A_232 : memref<128x128xf32, #tpu.memory_space<vmem>>) target(%dma_start3A_229 : memref<128x128xf32, #tpu.memory_space<vmem_shared>>) target_semaphore(%run_scoped3A : memref<!tpu.dma_semaphore, #tpu.memory_space<semaphore_mem>>)
      %dma_wait3A_233 = arith.constant 0 : i32
      %dma_wait3A_234 = arith.constant 0 : i32
      %dma_wait3A_235 = tpu.memref_slice %arg8[%dma_wait3A_233, %dma_wait3A_234] : memref<128x128xf32, #tpu.memory_space<vmem>> -> memref<128x128xf32, #tpu.memory_space<vmem>>
      %dma_wait3A_236 = arith.constant 0 : i32
      %dma_wait3A_237 = tpu.memref_slice %arg16[%add3A_13, %dma_wait3A_236] : memref<10112x128xf32, #tpu.memory_space<vmem_shared>> -> memref<128x128xf32, #tpu.memory_space<vmem_shared>>
      %dma_wait3A_238 = arith.constant 0 : i32
      %dma_wait3A_239 = tpu.memref_slice %arg16[%add3A_13, %dma_wait3A_238] : memref<10112x128xf32, #tpu.memory_space<vmem_shared>> -> memref<128x128xf32, #tpu.memory_space<vmem_shared>>
      %dma_wait3A_240 = arith.constant 0 : i32
      %dma_wait3A_241 = arith.constant 0 : i32
      %dma_wait3A_242 = tpu.memref_slice %arg8[%dma_wait3A_240, %dma_wait3A_241] : memref<128x128xf32, #tpu.memory_space<vmem>> -> memref<128x128xf32, #tpu.memory_space<vmem>>
      tpu.wait_dma2 semaphore(%run_scoped3A : memref<!tpu.dma_semaphore, #tpu.memory_space<semaphore_mem>>) src(%dma_wait3A_242 : memref<128x128xf32, #tpu.memory_space<vmem>>) dst(%dma_wait3A_239 : memref<128x128xf32, #tpu.memory_space<vmem_shared>>)
      tpu.yield
    }) : () -> ()
    %add3A_14 = arith.constant 128 : i32
    %add3A_15 = arith.addi %add3A_13, %add3A_14 : i32
    "tpu.region"() ({
      %run_scoped3A = tpu.sem_alloc : memref<!tpu.dma_semaphore, #tpu.memory_space<semaphore_mem>>
      %dma_start3A_223 = arith.constant 0 : i32
      %dma_start3A_224 = arith.constant 0 : i32
      %dma_start3A_225 = tpu.memref_slice %arg8[%dma_start3A_223, %dma_start3A_224] : memref<128x128xf32, #tpu.memory_space<vmem>> -> memref<120x128xf32, #tpu.memory_space<vmem>>
      %dma_start3A_226 = arith.constant 0 : i32
      %dma_start3A_227 = tpu.memref_slice %arg16[%add3A_15, %dma_start3A_226] : memref<10112x128xf32, #tpu.memory_space<vmem_shared>> -> memref<120x128xf32, #tpu.memory_space<vmem_shared>>
      %dma_start3A_228 = arith.constant 0 : i32
      %dma_start3A_229 = tpu.memref_slice %arg16[%add3A_15, %dma_start3A_228] : memref<10112x128xf32, #tpu.memory_space<vmem_shared>> -> memref<120x128xf32, #tpu.memory_space<vmem_shared>>
      %dma_start3A_230 = arith.constant 0 : i32
      %dma_start3A_231 = arith.constant 0 : i32
      %dma_start3A_232 = tpu.memref_slice %arg8[%dma_start3A_230, %dma_start3A_231] : memref<128x128xf32, #tpu.memory_space<vmem>> -> memref<120x128xf32, #tpu.memory_space<vmem>>
      tpu.enqueue_dma source(%dma_start3A_232 : memref<120x128xf32, #tpu.memory_space<vmem>>) target(%dma_start3A_229 : memref<120x128xf32, #tpu.memory_space<vmem_shared>>) target_semaphore(%run_scoped3A : memref<!tpu.dma_semaphore, #tpu.memory_space<semaphore_mem>>)
      %dma_wait3A_233 = arith.constant 0 : i32
      %dma_wait3A_234 = arith.constant 0 : i32
      %dma_wait3A_235 = tpu.memref_slice %arg8[%dma_wait3A_233, %dma_wait3A_234] : memref<128x128xf32, #tpu.memory_space<vmem>> -> memref<120x128xf32, #tpu.memory_space<vmem>>
      %dma_wait3A_236 = arith.constant 0 : i32
      %dma_wait3A_237 = tpu.memref_slice %arg16[%add3A_15, %dma_wait3A_236] : memref<10112x128xf32, #tpu.memory_space<vmem_shared>> -> memref<120x128xf32, #tpu.memory_space<vmem_shared>>
      %dma_wait3A_238 = arith.constant 0 : i32
      %dma_wait3A_239 = tpu.memref_slice %arg16[%add3A_15, %dma_wait3A_238] : memref<10112x128xf32, #tpu.memory_space<vmem_shared>> -> memref<120x128xf32, #tpu.memory_space<vmem_shared>>
      %dma_wait3A_240 = arith.constant 0 : i32
      %dma_wait3A_241 = arith.constant 0 : i32
      %dma_wait3A_242 = tpu.memref_slice %arg8[%dma_wait3A_240, %dma_wait3A_241] : memref<128x128xf32, #tpu.memory_space<vmem>> -> memref<120x128xf32, #tpu.memory_space<vmem>>
      tpu.wait_dma2 semaphore(%run_scoped3A : memref<!tpu.dma_semaphore, #tpu.memory_space<semaphore_mem>>) src(%dma_wait3A_242 : memref<120x128xf32, #tpu.memory_space<vmem>>) dst(%dma_wait3A_239 : memref<120x128xf32, #tpu.memory_space<vmem_shared>>)
      tpu.yield
    }) : () -> ()
    %add3A_16 = arith.constant 120 : i32
    %add3A_17 = arith.addi %add3A_15, %add3A_16 : i32
    %barrier3A = arith.constant 0 : index
    tpu.barrier barrier_id(%barrier3A)
    %dma_start3A = arith.constant 0 : i32
    %dma_start3A_18 = arith.constant 0 : i32
    %dma_start3A_19 = arith.constant 0 : i32
    %dma_start3A_20 = tpu.memref_slice %arg6[%dma_start3A, %dma_start3A_18, %dma_start3A_19] : memref<2x8x128xi32, #tpu.memory_space<vmem>> -> memref<1x8x128xi32, #tpu.memory_space<vmem>>
    %dma_start3A_21 = tpu.memref_squeeze %dma_start3A_20 : memref<1x8x128xi32, #tpu.memory_space<vmem>> -> memref<8x128xi32, #tpu.memory_space<vmem>>
    %dma_start3A_22 = arith.constant 0 : i32
    %dma_start3A_23 = arith.constant 0 : i32
    %dma_start3A_24 = tpu.memref_slice %arg3[%add3A, %dma_start3A_22, %dma_start3A_23] : memref<32x88x128xi32, #tpu.memory_space<hbm>> -> memref<1x8x128xi32, #tpu.memory_space<hbm>>
    %dma_start3A_25 = tpu.memref_squeeze %dma_start3A_24 : memref<1x8x128xi32, #tpu.memory_space<hbm>> -> memref<8x128xi32, #tpu.memory_space<hbm>>
    %dma_start3A_26 = arith.constant 0 : i32
    %dma_start3A_27 = arith.constant 0 : i32
    %dma_start3A_28 = tpu.memref_slice %arg6[%dma_start3A, %dma_start3A_26, %dma_start3A_27] : memref<2x8x128xi32, #tpu.memory_space<vmem>> -> memref<1x8x128xi32, #tpu.memory_space<vmem>>
    %dma_start3A_29 = tpu.memref_squeeze %dma_start3A_28 : memref<1x8x128xi32, #tpu.memory_space<vmem>> -> memref<8x128xi32, #tpu.memory_space<vmem>>
    %dma_start3A_30 = arith.constant 0 : i32
    %dma_start3A_31 = arith.constant 0 : i32
    %dma_start3A_32 = tpu.memref_slice %arg3[%add3A, %dma_start3A_30, %dma_start3A_31] : memref<32x88x128xi32, #tpu.memory_space<hbm>> -> memref<1x8x128xi32, #tpu.memory_space<hbm>>
    %dma_start3A_33 = tpu.memref_squeeze %dma_start3A_32 : memref<1x8x128xi32, #tpu.memory_space<hbm>> -> memref<8x128xi32, #tpu.memory_space<hbm>>
    tpu.enqueue_dma source(%dma_start3A_33 : memref<8x128xi32, #tpu.memory_space<hbm>>) target(%dma_start3A_29 : memref<8x128xi32, #tpu.memory_space<vmem>>) target_semaphore(%arg12 : memref<!tpu.dma_semaphore, #tpu.memory_space<semaphore_mem>>)
    %dma_start3A_34 = arith.constant 0 : i32
    %dma_start3A_35 = arith.constant 0 : i32
    %dma_start3A_36 = arith.constant 0 : i32
    %dma_start3A_37 = tpu.memref_slice %arg7[%dma_start3A_34, %dma_start3A_35, %dma_start3A_36] : memref<2x8x128xi32, #tpu.memory_space<vmem>> -> memref<1x8x128xi32, #tpu.memory_space<vmem>>
    %dma_start3A_38 = tpu.memref_squeeze %dma_start3A_37 : memref<1x8x128xi32, #tpu.memory_space<vmem>> -> memref<8x128xi32, #tpu.memory_space<vmem>>
    %dma_start3A_39 = arith.constant 0 : i32
    %dma_start3A_40 = arith.constant 0 : i32
    %dma_start3A_41 = tpu.memref_slice %arg4[%add3A, %dma_start3A_39, %dma_start3A_40] : memref<32x88x128xi32, #tpu.memory_space<hbm>> -> memref<1x8x128xi32, #tpu.memory_space<hbm>>
    %dma_start3A_42 = tpu.memref_squeeze %dma_start3A_41 : memref<1x8x128xi32, #tpu.memory_space<hbm>> -> memref<8x128xi32, #tpu.memory_space<hbm>>
    %dma_start3A_43 = arith.constant 0 : i32
    %dma_start3A_44 = arith.constant 0 : i32
    %dma_start3A_45 = tpu.memref_slice %arg7[%dma_start3A_34, %dma_start3A_43, %dma_start3A_44] : memref<2x8x128xi32, #tpu.memory_space<vmem>> -> memref<1x8x128xi32, #tpu.memory_space<vmem>>
    %dma_start3A_46 = tpu.memref_squeeze %dma_start3A_45 : memref<1x8x128xi32, #tpu.memory_space<vmem>> -> memref<8x128xi32, #tpu.memory_space<vmem>>
    %dma_start3A_47 = arith.constant 0 : i32
    %dma_start3A_48 = arith.constant 0 : i32
    %dma_start3A_49 = tpu.memref_slice %arg4[%add3A, %dma_start3A_47, %dma_start3A_48] : memref<32x88x128xi32, #tpu.memory_space<hbm>> -> memref<1x8x128xi32, #tpu.memory_space<hbm>>
    %dma_start3A_50 = tpu.memref_squeeze %dma_start3A_49 : memref<1x8x128xi32, #tpu.memory_space<hbm>> -> memref<8x128xi32, #tpu.memory_space<hbm>>
    tpu.enqueue_dma source(%dma_start3A_50 : memref<8x128xi32, #tpu.memory_space<hbm>>) target(%dma_start3A_46 : memref<8x128xi32, #tpu.memory_space<vmem>>) target_semaphore(%arg14 : memref<!tpu.dma_semaphore, #tpu.memory_space<semaphore_mem>>)
    %scan3A_51 = arith.constant 0 : i32
    %scan3A_52 = arith.constant 0 : i32
    %scan3A_53 = arith.constant 5 : i32
    %scan3A_54 = arith.addi %scan3A_52, %scan3A_53 : i32
    %scan3A_55 = arith.constant 1 : i32
    scf.for %scan3A_223 = %scan3A_52 to %scan3A_54 step %scan3A_55  : i32 {
      %mul3A_224 = arith.constant 2 : i32
      %mul3A_225 = arith.muli %mul3A_224, %scan3A_223 : i32
      %add3A_226 = arith.constant 0 : i32
      %add3A_227 = arith.addi %mul3A_225, %add3A_226 : i32
      %mul3A_228 = arith.constant 8 : i32
      %mul3A_229 = arith.muli %add3A_227, %mul3A_228 : i32
      %dma_wait3A_230 = arith.constant 0 : i32
      %dma_wait3A_231 = arith.constant 0 : i32
      %dma_wait3A_232 = arith.constant 0 : i32
      %dma_wait3A_233 = tpu.memref_slice %arg6[%dma_wait3A_230, %dma_wait3A_231, %dma_wait3A_232] : memref<2x8x128xi32, #tpu.memory_space<vmem>> -> memref<1x8x128xi32, #tpu.memory_space<vmem>>
      %dma_wait3A_234 = tpu.memref_squeeze %dma_wait3A_233 : memref<1x8x128xi32, #tpu.memory_space<vmem>> -> memref<8x128xi32, #tpu.memory_space<vmem>>
      %dma_wait3A_235 = arith.constant 0 : i32
      %dma_wait3A_236 = tpu.memref_slice %arg3[%add3A, %mul3A_229, %dma_wait3A_235] : memref<32x88x128xi32, #tpu.memory_space<hbm>> -> memref<1x8x128xi32, #tpu.memory_space<hbm>>
      %dma_wait3A_237 = tpu.memref_squeeze %dma_wait3A_236 : memref<1x8x128xi32, #tpu.memory_space<hbm>> -> memref<8x128xi32, #tpu.memory_space<hbm>>
      %dma_wait3A_238 = arith.constant 0 : i32
      %dma_wait3A_239 = arith.constant 0 : i32
      %dma_wait3A_240 = tpu.memref_slice %arg6[%dma_wait3A_230, %dma_wait3A_238, %dma_wait3A_239] : memref<2x8x128xi32, #tpu.memory_space<vmem>> -> memref<1x8x128xi32, #tpu.memory_space<vmem>>
      %dma_wait3A_241 = tpu.memref_squeeze %dma_wait3A_240 : memref<1x8x128xi32, #tpu.memory_space<vmem>> -> memref<8x128xi32, #tpu.memory_space<vmem>>
      %dma_wait3A_242 = arith.constant 0 : i32
      %dma_wait3A_243 = tpu.memref_slice %arg3[%add3A, %mul3A_229, %dma_wait3A_242] : memref<32x88x128xi32, #tpu.memory_space<hbm>> -> memref<1x8x128xi32, #tpu.memory_space<hbm>>
      %dma_wait3A_244 = tpu.memref_squeeze %dma_wait3A_243 : memref<1x8x128xi32, #tpu.memory_space<hbm>> -> memref<8x128xi32, #tpu.memory_space<hbm>>
      tpu.wait_dma2 semaphore(%arg12 : memref<!tpu.dma_semaphore, #tpu.memory_space<semaphore_mem>>) src(%dma_wait3A_244 : memref<8x128xi32, #tpu.memory_space<hbm>>) dst(%dma_wait3A_241 : memref<8x128xi32, #tpu.memory_space<vmem>>)
      %mul3A_245 = arith.constant 8 : i32
      %mul3A_246 = arith.muli %add3A_227, %mul3A_245 : i32
      %dma_wait3A_247 = arith.constant 0 : i32
      %dma_wait3A_248 = arith.constant 0 : i32
      %dma_wait3A_249 = arith.constant 0 : i32
      %dma_wait3A_250 = tpu.memref_slice %arg7[%dma_wait3A_247, %dma_wait3A_248, %dma_wait3A_249] : memref<2x8x128xi32, #tpu.memory_space<vmem>> -> memref<1x8x128xi32, #tpu.memory_space<vmem>>
      %dma_wait3A_251 = tpu.memref_squeeze %dma_wait3A_250 : memref<1x8x128xi32, #tpu.memory_space<vmem>> -> memref<8x128xi32, #tpu.memory_space<vmem>>
      %dma_wait3A_252 = arith.constant 0 : i32
      %dma_wait3A_253 = tpu.memref_slice %arg4[%add3A, %mul3A_246, %dma_wait3A_252] : memref<32x88x128xi32, #tpu.memory_space<hbm>> -> memref<1x8x128xi32, #tpu.memory_space<hbm>>
      %dma_wait3A_254 = tpu.memref_squeeze %dma_wait3A_253 : memref<1x8x128xi32, #tpu.memory_space<hbm>> -> memref<8x128xi32, #tpu.memory_space<hbm>>
      %dma_wait3A_255 = arith.constant 0 : i32
      %dma_wait3A_256 = arith.constant 0 : i32
      %dma_wait3A_257 = tpu.memref_slice %arg7[%dma_wait3A_247, %dma_wait3A_255, %dma_wait3A_256] : memref<2x8x128xi32, #tpu.memory_space<vmem>> -> memref<1x8x128xi32, #tpu.memory_space<vmem>>
      %dma_wait3A_258 = tpu.memref_squeeze %dma_wait3A_257 : memref<1x8x128xi32, #tpu.memory_space<vmem>> -> memref<8x128xi32, #tpu.memory_space<vmem>>
      %dma_wait3A_259 = arith.constant 0 : i32
      %dma_wait3A_260 = tpu.memref_slice %arg4[%add3A, %mul3A_246, %dma_wait3A_259] : memref<32x88x128xi32, #tpu.memory_space<hbm>> -> memref<1x8x128xi32, #tpu.memory_space<hbm>>
      %dma_wait3A_261 = tpu.memref_squeeze %dma_wait3A_260 : memref<1x8x128xi32, #tpu.memory_space<hbm>> -> memref<8x128xi32, #tpu.memory_space<hbm>>
      tpu.wait_dma2 semaphore(%arg14 : memref<!tpu.dma_semaphore, #tpu.memory_space<semaphore_mem>>) src(%dma_wait3A_261 : memref<8x128xi32, #tpu.memory_space<hbm>>) dst(%dma_wait3A_258 : memref<8x128xi32, #tpu.memory_space<vmem>>)
      %add3A_262 = arith.constant 1 : i32
      %add3A_263 = arith.addi %add3A_227, %add3A_262 : i32
      %mul3A_264 = arith.constant 8 : i32
      %mul3A_265 = arith.muli %add3A_263, %mul3A_264 : i32
      %dma_start3A_266 = arith.constant 1 : i32
      %dma_start3A_267 = arith.constant 0 : i32
      %dma_start3A_268 = arith.constant 0 : i32
      %dma_start3A_269 = tpu.memref_slice %arg6[%dma_start3A_266, %dma_start3A_267, %dma_start3A_268] : memref<2x8x128xi32, #tpu.memory_space<vmem>> -> memref<1x8x128xi32, #tpu.memory_space<vmem>>
      %dma_start3A_270 = tpu.memref_squeeze %dma_start3A_269 : memref<1x8x128xi32, #tpu.memory_space<vmem>> -> memref<8x128xi32, #tpu.memory_space<vmem>>
      %dma_start3A_271 = arith.constant 0 : i32
      %dma_start3A_272 = tpu.memref_slice %arg3[%add3A, %mul3A_265, %dma_start3A_271] : memref<32x88x128xi32, #tpu.memory_space<hbm>> -> memref<1x8x128xi32, #tpu.memory_space<hbm>>
      %dma_start3A_273 = tpu.memref_squeeze %dma_start3A_272 : memref<1x8x128xi32, #tpu.memory_space<hbm>> -> memref<8x128xi32, #tpu.memory_space<hbm>>
      %dma_start3A_274 = arith.constant 0 : i32
      %dma_start3A_275 = arith.constant 0 : i32
      %dma_start3A_276 = tpu.memref_slice %arg6[%dma_start3A_266, %dma_start3A_274, %dma_start3A_275] : memref<2x8x128xi32, #tpu.memory_space<vmem>> -> memref<1x8x128xi32, #tpu.memory_space<vmem>>
      %dma_start3A_277 = tpu.memref_squeeze %dma_start3A_276 : memref<1x8x128xi32, #tpu.memory_space<vmem>> -> memref<8x128xi32, #tpu.memory_space<vmem>>
      %dma_start3A_278 = arith.constant 0 : i32
      %dma_start3A_279 = tpu.memref_slice %arg3[%add3A, %mul3A_265, %dma_start3A_278] : memref<32x88x128xi32, #tpu.memory_space<hbm>> -> memref<1x8x128xi32, #tpu.memory_space<hbm>>
      %dma_start3A_280 = tpu.memref_squeeze %dma_start3A_279 : memref<1x8x128xi32, #tpu.memory_space<hbm>> -> memref<8x128xi32, #tpu.memory_space<hbm>>
      tpu.enqueue_dma source(%dma_start3A_280 : memref<8x128xi32, #tpu.memory_space<hbm>>) target(%dma_start3A_277 : memref<8x128xi32, #tpu.memory_space<vmem>>) target_semaphore(%arg13 : memref<!tpu.dma_semaphore, #tpu.memory_space<semaphore_mem>>)
      %mul3A_281 = arith.constant 8 : i32
      %mul3A_282 = arith.muli %add3A_263, %mul3A_281 : i32
      %dma_start3A_283 = arith.constant 1 : i32
      %dma_start3A_284 = arith.constant 0 : i32
      %dma_start3A_285 = arith.constant 0 : i32
      %dma_start3A_286 = tpu.memref_slice %arg7[%dma_start3A_283, %dma_start3A_284, %dma_start3A_285] : memref<2x8x128xi32, #tpu.memory_space<vmem>> -> memref<1x8x128xi32, #tpu.memory_space<vmem>>
      %dma_start3A_287 = tpu.memref_squeeze %dma_start3A_286 : memref<1x8x128xi32, #tpu.memory_space<vmem>> -> memref<8x128xi32, #tpu.memory_space<vmem>>
      %dma_start3A_288 = arith.constant 0 : i32
      %dma_start3A_289 = tpu.memref_slice %arg4[%add3A, %mul3A_282, %dma_start3A_288] : memref<32x88x128xi32, #tpu.memory_space<hbm>> -> memref<1x8x128xi32, #tpu.memory_space<hbm>>
      %dma_start3A_290 = tpu.memref_squeeze %dma_start3A_289 : memref<1x8x128xi32, #tpu.memory_space<hbm>> -> memref<8x128xi32, #tpu.memory_space<hbm>>
      %dma_start3A_291 = arith.constant 0 : i32
      %dma_start3A_292 = arith.constant 0 : i32
      %dma_start3A_293 = tpu.memref_slice %arg7[%dma_start3A_283, %dma_start3A_291, %dma_start3A_292] : memref<2x8x128xi32, #tpu.memory_space<vmem>> -> memref<1x8x128xi32, #tpu.memory_space<vmem>>
      %dma_start3A_294 = tpu.memref_squeeze %dma_start3A_293 : memref<1x8x128xi32, #tpu.memory_space<vmem>> -> memref<8x128xi32, #tpu.memory_space<vmem>>
      %dma_start3A_295 = arith.constant 0 : i32
      %dma_start3A_296 = tpu.memref_slice %arg4[%add3A, %mul3A_282, %dma_start3A_295] : memref<32x88x128xi32, #tpu.memory_space<hbm>> -> memref<1x8x128xi32, #tpu.memory_space<hbm>>
      %dma_start3A_297 = tpu.memref_squeeze %dma_start3A_296 : memref<1x8x128xi32, #tpu.memory_space<hbm>> -> memref<8x128xi32, #tpu.memory_space<hbm>>
      tpu.enqueue_dma source(%dma_start3A_297 : memref<8x128xi32, #tpu.memory_space<hbm>>) target(%dma_start3A_294 : memref<8x128xi32, #tpu.memory_space<vmem>>) target_semaphore(%arg15 : memref<!tpu.dma_semaphore, #tpu.memory_space<semaphore_mem>>)
      %dma_start3A_298 = arith.constant 0 : i32
      %dma_start3A_299 = arith.constant 0 : i32
      %dma_start3A_300 = arith.constant 0 : i32
      %dma_start3A_301 = tpu.memref_slice %arg7[%dma_start3A_298, %dma_start3A_299, %dma_start3A_300] : memref<2x8x128xi32, #tpu.memory_space<vmem>> -> memref<1x1x128xi32, #tpu.memory_space<vmem>>
      %dma_start3A_302 = tpu.memref_squeeze %dma_start3A_301 : memref<1x1x128xi32, #tpu.memory_space<vmem>> -> memref<128xi32, #tpu.memory_space<vmem>>
      %dma_start3A_303 = arith.constant 0 : i32
      %dma_start3A_304 = arith.constant 0 : i32
      %dma_start3A_305 = tpu.memref_slice %arg2[%dma_start3A_303, %dma_start3A_304] : memref<17680x128xf32, #tpu.memory_space<hbm>> -> memref<17680x128xf32, #tpu.memory_space<hbm>>
      tpu.enqueue_indirect_dma source(%dma_start3A_305 : memref<17680x128xf32, #tpu.memory_space<hbm>>) target(%arg8 : memref<128x128xf32, #tpu.memory_space<vmem>>) offsets(%dma_start3A_302 : memref<128xi32, #tpu.memory_space<vmem>>) semaphore(%arg10 : memref<!tpu.dma_semaphore, #tpu.memory_space<semaphore_mem>>)
      %dma_start3A_306 = arith.constant 0 : i32
      %dma_start3A_307 = arith.constant 1 : i32
      %dma_start3A_308 = arith.constant 0 : i32
      %dma_start3A_309 = tpu.memref_slice %arg7[%dma_start3A_306, %dma_start3A_307, %dma_start3A_308] : memref<2x8x128xi32, #tpu.memory_space<vmem>> -> memref<1x1x128xi32, #tpu.memory_space<vmem>>
      %dma_start3A_310 = tpu.memref_squeeze %dma_start3A_309 : memref<1x1x128xi32, #tpu.memory_space<vmem>> -> memref<128xi32, #tpu.memory_space<vmem>>
      %dma_start3A_311 = arith.constant 0 : i32
      %dma_start3A_312 = arith.constant 0 : i32
      %dma_start3A_313 = tpu.memref_slice %arg2[%dma_start3A_311, %dma_start3A_312] : memref<17680x128xf32, #tpu.memory_space<hbm>> -> memref<17680x128xf32, #tpu.memory_space<hbm>>
      tpu.enqueue_indirect_dma source(%dma_start3A_313 : memref<17680x128xf32, #tpu.memory_space<hbm>>) target(%arg9 : memref<128x128xf32, #tpu.memory_space<vmem>>) offsets(%dma_start3A_310 : memref<128xi32, #tpu.memory_space<vmem>>) semaphore(%arg11 : memref<!tpu.dma_semaphore, #tpu.memory_space<semaphore_mem>>)
      %dma_wait3A_314 = arith.constant 0 : i32
      %dma_wait3A_315 = arith.constant 0 : i32
      %dma_wait3A_316 = arith.constant 0 : i32
      %dma_wait3A_317 = tpu.memref_slice %arg7[%dma_wait3A_314, %dma_wait3A_315, %dma_wait3A_316] : memref<2x8x128xi32, #tpu.memory_space<vmem>> -> memref<1x1x128xi32, #tpu.memory_space<vmem>>
      %dma_wait3A_318 = tpu.memref_squeeze %dma_wait3A_317 : memref<1x1x128xi32, #tpu.memory_space<vmem>> -> memref<128xi32, #tpu.memory_space<vmem>>
      %dma_wait3A_319 = arith.constant 0 : i32
      %dma_wait3A_320 = arith.constant 0 : i32
      %dma_wait3A_321 = tpu.memref_slice %arg2[%dma_wait3A_319, %dma_wait3A_320] : memref<17680x128xf32, #tpu.memory_space<hbm>> -> memref<17680x128xf32, #tpu.memory_space<hbm>>
      tpu.wait_indirect_dma semaphore(%arg10 : memref<!tpu.dma_semaphore, #tpu.memory_space<semaphore_mem>>) src(%dma_wait3A_321 : memref<17680x128xf32, #tpu.memory_space<hbm>>) dst(%arg8 : memref<128x128xf32, #tpu.memory_space<vmem>>)
      %run_scoped3A = arith.constant 0 : i32
      %run_scoped3A_322 = arith.constant 0 : i32
      "tpu.region"() ({
        %run_scoped3A_659 = tpu.sem_alloc : memref<!tpu.dma_semaphore, #tpu.memory_space<semaphore_mem>>
        %dma_start3A_660 = arith.constant 0 : i32
        %dma_start3A_661 = tpu.memref_slice %arg6[%run_scoped3A, %run_scoped3A_322, %dma_start3A_660] : memref<2x8x128xi32, #tpu.memory_space<vmem>> -> memref<1x1x128xi32, #tpu.memory_space<vmem>>
        %dma_start3A_662 = tpu.memref_squeeze %dma_start3A_661 : memref<1x1x128xi32, #tpu.memory_space<vmem>> -> memref<128xi32, #tpu.memory_space<vmem>>
        %dma_start3A_663 = arith.constant 0 : i32
        %dma_start3A_664 = arith.constant 0 : i32
        %dma_start3A_665 = tpu.memref_slice %arg16[%dma_start3A_663, %dma_start3A_664] : memref<10112x128xf32, #tpu.memory_space<vmem_shared>> -> memref<10112x128xf32, #tpu.memory_space<vmem_shared>>
        tpu.enqueue_indirect_dma source(%arg8 : memref<128x128xf32, #tpu.memory_space<vmem>>) target(%dma_start3A_665 : memref<10112x128xf32, #tpu.memory_space<vmem_shared>>) offsets(%dma_start3A_662 : memref<128xi32, #tpu.memory_space<vmem>>) semaphore(%run_scoped3A_659 : memref<!tpu.dma_semaphore, #tpu.memory_space<semaphore_mem>>) {add = true}
        %dma_wait3A_666 = arith.constant 0 : i32
        %dma_wait3A_667 = tpu.memref_slice %arg6[%run_scoped3A, %run_scoped3A_322, %dma_wait3A_666] : memref<2x8x128xi32, #tpu.memory_space<vmem>> -> memref<1x1x128xi32, #tpu.memory_space<vmem>>
        %dma_wait3A_668 = tpu.memref_squeeze %dma_wait3A_667 : memref<1x1x128xi32, #tpu.memory_space<vmem>> -> memref<128xi32, #tpu.memory_space<vmem>>
        %dma_wait3A_669 = arith.constant 0 : i32
        %dma_wait3A_670 = arith.constant 0 : i32
        %dma_wait3A_671 = tpu.memref_slice %arg16[%dma_wait3A_669, %dma_wait3A_670] : memref<10112x128xf32, #tpu.memory_space<vmem_shared>> -> memref<10112x128xf32, #tpu.memory_space<vmem_shared>>
        tpu.wait_indirect_dma semaphore(%run_scoped3A_659 : memref<!tpu.dma_semaphore, #tpu.memory_space<semaphore_mem>>) src(%arg8 : memref<128x128xf32, #tpu.memory_space<vmem>>) dst(%dma_wait3A_671 : memref<10112x128xf32, #tpu.memory_space<vmem_shared>>)
        tpu.yield
      }) : () -> ()
      %dma_start3A_323 = arith.constant 0 : i32
      %dma_start3A_324 = arith.constant 2 : i32
      %dma_start3A_325 = arith.constant 0 : i32
      %dma_start3A_326 = tpu.memref_slice %arg7[%dma_start3A_323, %dma_start3A_324, %dma_start3A_325] : memref<2x8x128xi32, #tpu.memory_space<vmem>> -> memref<1x1x128xi32, #tpu.memory_space<vmem>>
      %dma_start3A_327 = tpu.memref_squeeze %dma_start3A_326 : memref<1x1x128xi32, #tpu.memory_space<vmem>> -> memref<128xi32, #tpu.memory_space<vmem>>
      %dma_start3A_328 = arith.constant 0 : i32
      %dma_start3A_329 = arith.constant 0 : i32
      %dma_start3A_330 = tpu.memref_slice %arg2[%dma_start3A_328, %dma_start3A_329] : memref<17680x128xf32, #tpu.memory_space<hbm>> -> memref<17680x128xf32, #tpu.memory_space<hbm>>
      tpu.enqueue_indirect_dma source(%dma_start3A_330 : memref<17680x128xf32, #tpu.memory_space<hbm>>) target(%arg8 : memref<128x128xf32, #tpu.memory_space<vmem>>) offsets(%dma_start3A_327 : memref<128xi32, #tpu.memory_space<vmem>>) semaphore(%arg10 : memref<!tpu.dma_semaphore, #tpu.memory_space<semaphore_mem>>)
      %dma_wait3A_331 = arith.constant 0 : i32
      %dma_wait3A_332 = arith.constant 1 : i32
      %dma_wait3A_333 = arith.constant 0 : i32
      %dma_wait3A_334 = tpu.memref_slice %arg7[%dma_wait3A_331, %dma_wait3A_332, %dma_wait3A_333] : memref<2x8x128xi32, #tpu.memory_space<vmem>> -> memref<1x1x128xi32, #tpu.memory_space<vmem>>
      %dma_wait3A_335 = tpu.memref_squeeze %dma_wait3A_334 : memref<1x1x128xi32, #tpu.memory_space<vmem>> -> memref<128xi32, #tpu.memory_space<vmem>>
      %dma_wait3A_336 = arith.constant 0 : i32
      %dma_wait3A_337 = arith.constant 0 : i32
      %dma_wait3A_338 = tpu.memref_slice %arg2[%dma_wait3A_336, %dma_wait3A_337] : memref<17680x128xf32, #tpu.memory_space<hbm>> -> memref<17680x128xf32, #tpu.memory_space<hbm>>
      tpu.wait_indirect_dma semaphore(%arg11 : memref<!tpu.dma_semaphore, #tpu.memory_space<semaphore_mem>>) src(%dma_wait3A_338 : memref<17680x128xf32, #tpu.memory_space<hbm>>) dst(%arg9 : memref<128x128xf32, #tpu.memory_space<vmem>>)
      %run_scoped3A_339 = arith.constant 0 : i32
      %run_scoped3A_340 = arith.constant 1 : i32
      "tpu.region"() ({
        %run_scoped3A_659 = tpu.sem_alloc : memref<!tpu.dma_semaphore, #tpu.memory_space<semaphore_mem>>
        %dma_start3A_660 = arith.constant 0 : i32
        %dma_start3A_661 = tpu.memref_slice %arg6[%run_scoped3A_339, %run_scoped3A_340, %dma_start3A_660] : memref<2x8x128xi32, #tpu.memory_space<vmem>> -> memref<1x1x128xi32, #tpu.memory_space<vmem>>
        %dma_start3A_662 = tpu.memref_squeeze %dma_start3A_661 : memref<1x1x128xi32, #tpu.memory_space<vmem>> -> memref<128xi32, #tpu.memory_space<vmem>>
        %dma_start3A_663 = arith.constant 0 : i32
        %dma_start3A_664 = arith.constant 0 : i32
        %dma_start3A_665 = tpu.memref_slice %arg16[%dma_start3A_663, %dma_start3A_664] : memref<10112x128xf32, #tpu.memory_space<vmem_shared>> -> memref<10112x128xf32, #tpu.memory_space<vmem_shared>>
        tpu.enqueue_indirect_dma source(%arg9 : memref<128x128xf32, #tpu.memory_space<vmem>>) target(%dma_start3A_665 : memref<10112x128xf32, #tpu.memory_space<vmem_shared>>) offsets(%dma_start3A_662 : memref<128xi32, #tpu.memory_space<vmem>>) semaphore(%run_scoped3A_659 : memref<!tpu.dma_semaphore, #tpu.memory_space<semaphore_mem>>) {add = true}
        %dma_wait3A_666 = arith.constant 0 : i32
        %dma_wait3A_667 = tpu.memref_slice %arg6[%run_scoped3A_339, %run_scoped3A_340, %dma_wait3A_666] : memref<2x8x128xi32, #tpu.memory_space<vmem>> -> memref<1x1x128xi32, #tpu.memory_space<vmem>>
        %dma_wait3A_668 = tpu.memref_squeeze %dma_wait3A_667 : memref<1x1x128xi32, #tpu.memory_space<vmem>> -> memref<128xi32, #tpu.memory_space<vmem>>
        %dma_wait3A_669 = arith.constant 0 : i32
        %dma_wait3A_670 = arith.constant 0 : i32
        %dma_wait3A_671 = tpu.memref_slice %arg16[%dma_wait3A_669, %dma_wait3A_670] : memref<10112x128xf32, #tpu.memory_space<vmem_shared>> -> memref<10112x128xf32, #tpu.memory_space<vmem_shared>>
        tpu.wait_indirect_dma semaphore(%run_scoped3A_659 : memref<!tpu.dma_semaphore, #tpu.memory_space<semaphore_mem>>) src(%arg9 : memref<128x128xf32, #tpu.memory_space<vmem>>) dst(%dma_wait3A_671 : memref<10112x128xf32, #tpu.memory_space<vmem_shared>>)
        tpu.yield
      }) : () -> ()
      %dma_start3A_341 = arith.constant 0 : i32
      %dma_start3A_342 = arith.constant 3 : i32
      %dma_start3A_343 = arith.constant 0 : i32
      %dma_start3A_344 = tpu.memref_slice %arg7[%dma_start3A_341, %dma_start3A_342, %dma_start3A_343] : memref<2x8x128xi32, #tpu.memory_space<vmem>> -> memref<1x1x128xi32, #tpu.memory_space<vmem>>
      %dma_start3A_345 = tpu.memref_squeeze %dma_start3A_344 : memref<1x1x128xi32, #tpu.memory_space<vmem>> -> memref<128xi32, #tpu.memory_space<vmem>>
      %dma_start3A_346 = arith.constant 0 : i32
      %dma_start3A_347 = arith.constant 0 : i32
      %dma_start3A_348 = tpu.memref_slice %arg2[%dma_start3A_346, %dma_start3A_347] : memref<17680x128xf32, #tpu.memory_space<hbm>> -> memref<17680x128xf32, #tpu.memory_space<hbm>>
      tpu.enqueue_indirect_dma source(%dma_start3A_348 : memref<17680x128xf32, #tpu.memory_space<hbm>>) target(%arg9 : memref<128x128xf32, #tpu.memory_space<vmem>>) offsets(%dma_start3A_345 : memref<128xi32, #tpu.memory_space<vmem>>) semaphore(%arg11 : memref<!tpu.dma_semaphore, #tpu.memory_space<semaphore_mem>>)
      %dma_wait3A_349 = arith.constant 0 : i32
      %dma_wait3A_350 = arith.constant 2 : i32
      %dma_wait3A_351 = arith.constant 0 : i32
      %dma_wait3A_352 = tpu.memref_slice %arg7[%dma_wait3A_349, %dma_wait3A_350, %dma_wait3A_351] : memref<2x8x128xi32, #tpu.memory_space<vmem>> -> memref<1x1x128xi32, #tpu.memory_space<vmem>>
      %dma_wait3A_353 = tpu.memref_squeeze %dma_wait3A_352 : memref<1x1x128xi32, #tpu.memory_space<vmem>> -> memref<128xi32, #tpu.memory_space<vmem>>
      %dma_wait3A_354 = arith.constant 0 : i32
      %dma_wait3A_355 = arith.constant 0 : i32
      %dma_wait3A_356 = tpu.memref_slice %arg2[%dma_wait3A_354, %dma_wait3A_355] : memref<17680x128xf32, #tpu.memory_space<hbm>> -> memref<17680x128xf32, #tpu.memory_space<hbm>>
      tpu.wait_indirect_dma semaphore(%arg10 : memref<!tpu.dma_semaphore, #tpu.memory_space<semaphore_mem>>) src(%dma_wait3A_356 : memref<17680x128xf32, #tpu.memory_space<hbm>>) dst(%arg8 : memref<128x128xf32, #tpu.memory_space<vmem>>)
      %run_scoped3A_357 = arith.constant 0 : i32
      %run_scoped3A_358 = arith.constant 2 : i32
      "tpu.region"() ({
        %run_scoped3A_659 = tpu.sem_alloc : memref<!tpu.dma_semaphore, #tpu.memory_space<semaphore_mem>>
        %dma_start3A_660 = arith.constant 0 : i32
        %dma_start3A_661 = tpu.memref_slice %arg6[%run_scoped3A_357, %run_scoped3A_358, %dma_start3A_660] : memref<2x8x128xi32, #tpu.memory_space<vmem>> -> memref<1x1x128xi32, #tpu.memory_space<vmem>>
        %dma_start3A_662 = tpu.memref_squeeze %dma_start3A_661 : memref<1x1x128xi32, #tpu.memory_space<vmem>> -> memref<128xi32, #tpu.memory_space<vmem>>
        %dma_start3A_663 = arith.constant 0 : i32
        %dma_start3A_664 = arith.constant 0 : i32
        %dma_start3A_665 = tpu.memref_slice %arg16[%dma_start3A_663, %dma_start3A_664] : memref<10112x128xf32, #tpu.memory_space<vmem_shared>> -> memref<10112x128xf32, #tpu.memory_space<vmem_shared>>
        tpu.enqueue_indirect_dma source(%arg8 : memref<128x128xf32, #tpu.memory_space<vmem>>) target(%dma_start3A_665 : memref<10112x128xf32, #tpu.memory_space<vmem_shared>>) offsets(%dma_start3A_662 : memref<128xi32, #tpu.memory_space<vmem>>) semaphore(%run_scoped3A_659 : memref<!tpu.dma_semaphore, #tpu.memory_space<semaphore_mem>>) {add = true}
        %dma_wait3A_666 = arith.constant 0 : i32
        %dma_wait3A_667 = tpu.memref_slice %arg6[%run_scoped3A_357, %run_scoped3A_358, %dma_wait3A_666] : memref<2x8x128xi32, #tpu.memory_space<vmem>> -> memref<1x1x128xi32, #tpu.memory_space<vmem>>
        %dma_wait3A_668 = tpu.memref_squeeze %dma_wait3A_667 : memref<1x1x128xi32, #tpu.memory_space<vmem>> -> memref<128xi32, #tpu.memory_space<vmem>>
        %dma_wait3A_669 = arith.constant 0 : i32
        %dma_wait3A_670 = arith.constant 0 : i32
        %dma_wait3A_671 = tpu.memref_slice %arg16[%dma_wait3A_669, %dma_wait3A_670] : memref<10112x128xf32, #tpu.memory_space<vmem_shared>> -> memref<10112x128xf32, #tpu.memory_space<vmem_shared>>
        tpu.wait_indirect_dma semaphore(%run_scoped3A_659 : memref<!tpu.dma_semaphore, #tpu.memory_space<semaphore_mem>>) src(%arg8 : memref<128x128xf32, #tpu.memory_space<vmem>>) dst(%dma_wait3A_671 : memref<10112x128xf32, #tpu.memory_space<vmem_shared>>)
        tpu.yield
      }) : () -> ()
      %dma_start3A_359 = arith.constant 0 : i32
      %dma_start3A_360 = arith.constant 4 : i32
      %dma_start3A_361 = arith.constant 0 : i32
      %dma_start3A_362 = tpu.memref_slice %arg7[%dma_start3A_359, %dma_start3A_360, %dma_start3A_361] : memref<2x8x128xi32, #tpu.memory_space<vmem>> -> memref<1x1x128xi32, #tpu.memory_space<vmem>>
      %dma_start3A_363 = tpu.memref_squeeze %dma_start3A_362 : memref<1x1x128xi32, #tpu.memory_space<vmem>> -> memref<128xi32, #tpu.memory_space<vmem>>
      %dma_start3A_364 = arith.constant 0 : i32
      %dma_start3A_365 = arith.constant 0 : i32
      %dma_start3A_366 = tpu.memref_slice %arg2[%dma_start3A_364, %dma_start3A_365] : memref<17680x128xf32, #tpu.memory_space<hbm>> -> memref<17680x128xf32, #tpu.memory_space<hbm>>
      tpu.enqueue_indirect_dma source(%dma_start3A_366 : memref<17680x128xf32, #tpu.memory_space<hbm>>) target(%arg8 : memref<128x128xf32, #tpu.memory_space<vmem>>) offsets(%dma_start3A_363 : memref<128xi32, #tpu.memory_space<vmem>>) semaphore(%arg10 : memref<!tpu.dma_semaphore, #tpu.memory_space<semaphore_mem>>)
      %dma_wait3A_367 = arith.constant 0 : i32
      %dma_wait3A_368 = arith.constant 3 : i32
      %dma_wait3A_369 = arith.constant 0 : i32
      %dma_wait3A_370 = tpu.memref_slice %arg7[%dma_wait3A_367, %dma_wait3A_368, %dma_wait3A_369] : memref<2x8x128xi32, #tpu.memory_space<vmem>> -> memref<1x1x128xi32, #tpu.memory_space<vmem>>
      %dma_wait3A_371 = tpu.memref_squeeze %dma_wait3A_370 : memref<1x1x128xi32, #tpu.memory_space<vmem>> -> memref<128xi32, #tpu.memory_space<vmem>>
      %dma_wait3A_372 = arith.constant 0 : i32
      %dma_wait3A_373 = arith.constant 0 : i32
      %dma_wait3A_374 = tpu.memref_slice %arg2[%dma_wait3A_372, %dma_wait3A_373] : memref<17680x128xf32, #tpu.memory_space<hbm>> -> memref<17680x128xf32, #tpu.memory_space<hbm>>
      tpu.wait_indirect_dma semaphore(%arg11 : memref<!tpu.dma_semaphore, #tpu.memory_space<semaphore_mem>>) src(%dma_wait3A_374 : memref<17680x128xf32, #tpu.memory_space<hbm>>) dst(%arg9 : memref<128x128xf32, #tpu.memory_space<vmem>>)
      %run_scoped3A_375 = arith.constant 0 : i32
      %run_scoped3A_376 = arith.constant 3 : i32
      "tpu.region"() ({
        %run_scoped3A_659 = tpu.sem_alloc : memref<!tpu.dma_semaphore, #tpu.memory_space<semaphore_mem>>
        %dma_start3A_660 = arith.constant 0 : i32
        %dma_start3A_661 = tpu.memref_slice %arg6[%run_scoped3A_375, %run_scoped3A_376, %dma_start3A_660] : memref<2x8x128xi32, #tpu.memory_space<vmem>> -> memref<1x1x128xi32, #tpu.memory_space<vmem>>
        %dma_start3A_662 = tpu.memref_squeeze %dma_start3A_661 : memref<1x1x128xi32, #tpu.memory_space<vmem>> -> memref<128xi32, #tpu.memory_space<vmem>>
        %dma_start3A_663 = arith.constant 0 : i32
        %dma_start3A_664 = arith.constant 0 : i32
        %dma_start3A_665 = tpu.memref_slice %arg16[%dma_start3A_663, %dma_start3A_664] : memref<10112x128xf32, #tpu.memory_space<vmem_shared>> -> memref<10112x128xf32, #tpu.memory_space<vmem_shared>>
        tpu.enqueue_indirect_dma source(%arg9 : memref<128x128xf32, #tpu.memory_space<vmem>>) target(%dma_start3A_665 : memref<10112x128xf32, #tpu.memory_space<vmem_shared>>) offsets(%dma_start3A_662 : memref<128xi32, #tpu.memory_space<vmem>>) semaphore(%run_scoped3A_659 : memref<!tpu.dma_semaphore, #tpu.memory_space<semaphore_mem>>) {add = true}
        %dma_wait3A_666 = arith.constant 0 : i32
        %dma_wait3A_667 = tpu.memref_slice %arg6[%run_scoped3A_375, %run_scoped3A_376, %dma_wait3A_666] : memref<2x8x128xi32, #tpu.memory_space<vmem>> -> memref<1x1x128xi32, #tpu.memory_space<vmem>>
        %dma_wait3A_668 = tpu.memref_squeeze %dma_wait3A_667 : memref<1x1x128xi32, #tpu.memory_space<vmem>> -> memref<128xi32, #tpu.memory_space<vmem>>
        %dma_wait3A_669 = arith.constant 0 : i32
        %dma_wait3A_670 = arith.constant 0 : i32
        %dma_wait3A_671 = tpu.memref_slice %arg16[%dma_wait3A_669, %dma_wait3A_670] : memref<10112x128xf32, #tpu.memory_space<vmem_shared>> -> memref<10112x128xf32, #tpu.memory_space<vmem_shared>>
        tpu.wait_indirect_dma semaphore(%run_scoped3A_659 : memref<!tpu.dma_semaphore, #tpu.memory_space<semaphore_mem>>) src(%arg9 : memref<128x128xf32, #tpu.memory_space<vmem>>) dst(%dma_wait3A_671 : memref<10112x128xf32, #tpu.memory_space<vmem_shared>>)
        tpu.yield
      }) : () -> ()
      %dma_start3A_377 = arith.constant 0 : i32
      %dma_start3A_378 = arith.constant 5 : i32
      %dma_start3A_379 = arith.constant 0 : i32
      %dma_start3A_380 = tpu.memref_slice %arg7[%dma_start3A_377, %dma_start3A_378, %dma_start3A_379] : memref<2x8x128xi32, #tpu.memory_space<vmem>> -> memref<1x1x128xi32, #tpu.memory_space<vmem>>
      %dma_start3A_381 = tpu.memref_squeeze %dma_start3A_380 : memref<1x1x128xi32, #tpu.memory_space<vmem>> -> memref<128xi32, #tpu.memory_space<vmem>>
      %dma_start3A_382 = arith.constant 0 : i32
      %dma_start3A_383 = arith.constant 0 : i32
      %dma_start3A_384 = tpu.memref_slice %arg2[%dma_start3A_382, %dma_start3A_383] : memref<17680x128xf32, #tpu.memory_space<hbm>> -> memref<17680x128xf32, #tpu.memory_space<hbm>>
      tpu.enqueue_indirect_dma source(%dma_start3A_384 : memref<17680x128xf32, #tpu.memory_space<hbm>>) target(%arg9 : memref<128x128xf32, #tpu.memory_space<vmem>>) offsets(%dma_start3A_381 : memref<128xi32, #tpu.memory_space<vmem>>) semaphore(%arg11 : memref<!tpu.dma_semaphore, #tpu.memory_space<semaphore_mem>>)
      %dma_wait3A_385 = arith.constant 0 : i32
      %dma_wait3A_386 = arith.constant 4 : i32
      %dma_wait3A_387 = arith.constant 0 : i32
      %dma_wait3A_388 = tpu.memref_slice %arg7[%dma_wait3A_385, %dma_wait3A_386, %dma_wait3A_387] : memref<2x8x128xi32, #tpu.memory_space<vmem>> -> memref<1x1x128xi32, #tpu.memory_space<vmem>>
      %dma_wait3A_389 = tpu.memref_squeeze %dma_wait3A_388 : memref<1x1x128xi32, #tpu.memory_space<vmem>> -> memref<128xi32, #tpu.memory_space<vmem>>
      %dma_wait3A_390 = arith.constant 0 : i32
      %dma_wait3A_391 = arith.constant 0 : i32
      %dma_wait3A_392 = tpu.memref_slice %arg2[%dma_wait3A_390, %dma_wait3A_391] : memref<17680x128xf32, #tpu.memory_space<hbm>> -> memref<17680x128xf32, #tpu.memory_space<hbm>>
      tpu.wait_indirect_dma semaphore(%arg10 : memref<!tpu.dma_semaphore, #tpu.memory_space<semaphore_mem>>) src(%dma_wait3A_392 : memref<17680x128xf32, #tpu.memory_space<hbm>>) dst(%arg8 : memref<128x128xf32, #tpu.memory_space<vmem>>)
      %run_scoped3A_393 = arith.constant 0 : i32
      %run_scoped3A_394 = arith.constant 4 : i32
      "tpu.region"() ({
        %run_scoped3A_659 = tpu.sem_alloc : memref<!tpu.dma_semaphore, #tpu.memory_space<semaphore_mem>>
        %dma_start3A_660 = arith.constant 0 : i32
        %dma_start3A_661 = tpu.memref_slice %arg6[%run_scoped3A_393, %run_scoped3A_394, %dma_start3A_660] : memref<2x8x128xi32, #tpu.memory_space<vmem>> -> memref<1x1x128xi32, #tpu.memory_space<vmem>>
        %dma_start3A_662 = tpu.memref_squeeze %dma_start3A_661 : memref<1x1x128xi32, #tpu.memory_space<vmem>> -> memref<128xi32, #tpu.memory_space<vmem>>
        %dma_start3A_663 = arith.constant 0 : i32
        %dma_start3A_664 = arith.constant 0 : i32
        %dma_start3A_665 = tpu.memref_slice %arg16[%dma_start3A_663, %dma_start3A_664] : memref<10112x128xf32, #tpu.memory_space<vmem_shared>> -> memref<10112x128xf32, #tpu.memory_space<vmem_shared>>
        tpu.enqueue_indirect_dma source(%arg8 : memref<128x128xf32, #tpu.memory_space<vmem>>) target(%dma_start3A_665 : memref<10112x128xf32, #tpu.memory_space<vmem_shared>>) offsets(%dma_start3A_662 : memref<128xi32, #tpu.memory_space<vmem>>) semaphore(%run_scoped3A_659 : memref<!tpu.dma_semaphore, #tpu.memory_space<semaphore_mem>>) {add = true}
        %dma_wait3A_666 = arith.constant 0 : i32
        %dma_wait3A_667 = tpu.memref_slice %arg6[%run_scoped3A_393, %run_scoped3A_394, %dma_wait3A_666] : memref<2x8x128xi32, #tpu.memory_space<vmem>> -> memref<1x1x128xi32, #tpu.memory_space<vmem>>
        %dma_wait3A_668 = tpu.memref_squeeze %dma_wait3A_667 : memref<1x1x128xi32, #tpu.memory_space<vmem>> -> memref<128xi32, #tpu.memory_space<vmem>>
        %dma_wait3A_669 = arith.constant 0 : i32
        %dma_wait3A_670 = arith.constant 0 : i32
        %dma_wait3A_671 = tpu.memref_slice %arg16[%dma_wait3A_669, %dma_wait3A_670] : memref<10112x128xf32, #tpu.memory_space<vmem_shared>> -> memref<10112x128xf32, #tpu.memory_space<vmem_shared>>
        tpu.wait_indirect_dma semaphore(%run_scoped3A_659 : memref<!tpu.dma_semaphore, #tpu.memory_space<semaphore_mem>>) src(%arg8 : memref<128x128xf32, #tpu.memory_space<vmem>>) dst(%dma_wait3A_671 : memref<10112x128xf32, #tpu.memory_space<vmem_shared>>)
        tpu.yield
      }) : () -> ()
      %dma_start3A_395 = arith.constant 0 : i32
      %dma_start3A_396 = arith.constant 6 : i32
      %dma_start3A_397 = arith.constant 0 : i32
      %dma_start3A_398 = tpu.memref_slice %arg7[%dma_start3A_395, %dma_start3A_396, %dma_start3A_397] : memref<2x8x128xi32, #tpu.memory_space<vmem>> -> memref<1x1x128xi32, #tpu.memory_space<vmem>>
      %dma_start3A_399 = tpu.memref_squeeze %dma_start3A_398 : memref<1x1x128xi32, #tpu.memory_space<vmem>> -> memref<128xi32, #tpu.memory_space<vmem>>
      %dma_start3A_400 = arith.constant 0 : i32
      %dma_start3A_401 = arith.constant 0 : i32
      %dma_start3A_402 = tpu.memref_slice %arg2[%dma_start3A_400, %dma_start3A_401] : memref<17680x128xf32, #tpu.memory_space<hbm>> -> memref<17680x128xf32, #tpu.memory_space<hbm>>
      tpu.enqueue_indirect_dma source(%dma_start3A_402 : memref<17680x128xf32, #tpu.memory_space<hbm>>) target(%arg8 : memref<128x128xf32, #tpu.memory_space<vmem>>) offsets(%dma_start3A_399 : memref<128xi32, #tpu.memory_space<vmem>>) semaphore(%arg10 : memref<!tpu.dma_semaphore, #tpu.memory_space<semaphore_mem>>)
      %dma_wait3A_403 = arith.constant 0 : i32
      %dma_wait3A_404 = arith.constant 5 : i32
      %dma_wait3A_405 = arith.constant 0 : i32
      %dma_wait3A_406 = tpu.memref_slice %arg7[%dma_wait3A_403, %dma_wait3A_404, %dma_wait3A_405] : memref<2x8x128xi32, #tpu.memory_space<vmem>> -> memref<1x1x128xi32, #tpu.memory_space<vmem>>
      %dma_wait3A_407 = tpu.memref_squeeze %dma_wait3A_406 : memref<1x1x128xi32, #tpu.memory_space<vmem>> -> memref<128xi32, #tpu.memory_space<vmem>>
      %dma_wait3A_408 = arith.constant 0 : i32
      %dma_wait3A_409 = arith.constant 0 : i32
      %dma_wait3A_410 = tpu.memref_slice %arg2[%dma_wait3A_408, %dma_wait3A_409] : memref<17680x128xf32, #tpu.memory_space<hbm>> -> memref<17680x128xf32, #tpu.memory_space<hbm>>
      tpu.wait_indirect_dma semaphore(%arg11 : memref<!tpu.dma_semaphore, #tpu.memory_space<semaphore_mem>>) src(%dma_wait3A_410 : memref<17680x128xf32, #tpu.memory_space<hbm>>) dst(%arg9 : memref<128x128xf32, #tpu.memory_space<vmem>>)
      %run_scoped3A_411 = arith.constant 0 : i32
      %run_scoped3A_412 = arith.constant 5 : i32
      "tpu.region"() ({
        %run_scoped3A_659 = tpu.sem_alloc : memref<!tpu.dma_semaphore, #tpu.memory_space<semaphore_mem>>
        %dma_start3A_660 = arith.constant 0 : i32
        %dma_start3A_661 = tpu.memref_slice %arg6[%run_scoped3A_411, %run_scoped3A_412, %dma_start3A_660] : memref<2x8x128xi32, #tpu.memory_space<vmem>> -> memref<1x1x128xi32, #tpu.memory_space<vmem>>
        %dma_start3A_662 = tpu.memref_squeeze %dma_start3A_661 : memref<1x1x128xi32, #tpu.memory_space<vmem>> -> memref<128xi32, #tpu.memory_space<vmem>>
        %dma_start3A_663 = arith.constant 0 : i32
        %dma_start3A_664 = arith.constant 0 : i32
        %dma_start3A_665 = tpu.memref_slice %arg16[%dma_start3A_663, %dma_start3A_664] : memref<10112x128xf32, #tpu.memory_space<vmem_shared>> -> memref<10112x128xf32, #tpu.memory_space<vmem_shared>>
        tpu.enqueue_indirect_dma source(%arg9 : memref<128x128xf32, #tpu.memory_space<vmem>>) target(%dma_start3A_665 : memref<10112x128xf32, #tpu.memory_space<vmem_shared>>) offsets(%dma_start3A_662 : memref<128xi32, #tpu.memory_space<vmem>>) semaphore(%run_scoped3A_659 : memref<!tpu.dma_semaphore, #tpu.memory_space<semaphore_mem>>) {add = true}
        %dma_wait3A_666 = arith.constant 0 : i32
        %dma_wait3A_667 = tpu.memref_slice %arg6[%run_scoped3A_411, %run_scoped3A_412, %dma_wait3A_666] : memref<2x8x128xi32, #tpu.memory_space<vmem>> -> memref<1x1x128xi32, #tpu.memory_space<vmem>>
        %dma_wait3A_668 = tpu.memref_squeeze %dma_wait3A_667 : memref<1x1x128xi32, #tpu.memory_space<vmem>> -> memref<128xi32, #tpu.memory_space<vmem>>
        %dma_wait3A_669 = arith.constant 0 : i32
        %dma_wait3A_670 = arith.constant 0 : i32
        %dma_wait3A_671 = tpu.memref_slice %arg16[%dma_wait3A_669, %dma_wait3A_670] : memref<10112x128xf32, #tpu.memory_space<vmem_shared>> -> memref<10112x128xf32, #tpu.memory_space<vmem_shared>>
        tpu.wait_indirect_dma semaphore(%run_scoped3A_659 : memref<!tpu.dma_semaphore, #tpu.memory_space<semaphore_mem>>) src(%arg9 : memref<128x128xf32, #tpu.memory_space<vmem>>) dst(%dma_wait3A_671 : memref<10112x128xf32, #tpu.memory_space<vmem_shared>>)
        tpu.yield
      }) : () -> ()
      %dma_start3A_413 = arith.constant 0 : i32
      %dma_start3A_414 = arith.constant 7 : i32
      %dma_start3A_415 = arith.constant 0 : i32
      %dma_start3A_416 = tpu.memref_slice %arg7[%dma_start3A_413, %dma_start3A_414, %dma_start3A_415] : memref<2x8x128xi32, #tpu.memory_space<vmem>> -> memref<1x1x128xi32, #tpu.memory_space<vmem>>
      %dma_start3A_417 = tpu.memref_squeeze %dma_start3A_416 : memref<1x1x128xi32, #tpu.memory_space<vmem>> -> memref<128xi32, #tpu.memory_space<vmem>>
      %dma_start3A_418 = arith.constant 0 : i32
      %dma_start3A_419 = arith.constant 0 : i32
      %dma_start3A_420 = tpu.memref_slice %arg2[%dma_start3A_418, %dma_start3A_419] : memref<17680x128xf32, #tpu.memory_space<hbm>> -> memref<17680x128xf32, #tpu.memory_space<hbm>>
      tpu.enqueue_indirect_dma source(%dma_start3A_420 : memref<17680x128xf32, #tpu.memory_space<hbm>>) target(%arg9 : memref<128x128xf32, #tpu.memory_space<vmem>>) offsets(%dma_start3A_417 : memref<128xi32, #tpu.memory_space<vmem>>) semaphore(%arg11 : memref<!tpu.dma_semaphore, #tpu.memory_space<semaphore_mem>>)
      %dma_wait3A_421 = arith.constant 0 : i32
      %dma_wait3A_422 = arith.constant 6 : i32
      %dma_wait3A_423 = arith.constant 0 : i32
      %dma_wait3A_424 = tpu.memref_slice %arg7[%dma_wait3A_421, %dma_wait3A_422, %dma_wait3A_423] : memref<2x8x128xi32, #tpu.memory_space<vmem>> -> memref<1x1x128xi32, #tpu.memory_space<vmem>>
      %dma_wait3A_425 = tpu.memref_squeeze %dma_wait3A_424 : memref<1x1x128xi32, #tpu.memory_space<vmem>> -> memref<128xi32, #tpu.memory_space<vmem>>
      %dma_wait3A_426 = arith.constant 0 : i32
      %dma_wait3A_427 = arith.constant 0 : i32
      %dma_wait3A_428 = tpu.memref_slice %arg2[%dma_wait3A_426, %dma_wait3A_427] : memref<17680x128xf32, #tpu.memory_space<hbm>> -> memref<17680x128xf32, #tpu.memory_space<hbm>>
      tpu.wait_indirect_dma semaphore(%arg10 : memref<!tpu.dma_semaphore, #tpu.memory_space<semaphore_mem>>) src(%dma_wait3A_428 : memref<17680x128xf32, #tpu.memory_space<hbm>>) dst(%arg8 : memref<128x128xf32, #tpu.memory_space<vmem>>)
      %run_scoped3A_429 = arith.constant 0 : i32
      %run_scoped3A_430 = arith.constant 6 : i32
      "tpu.region"() ({
        %run_scoped3A_659 = tpu.sem_alloc : memref<!tpu.dma_semaphore, #tpu.memory_space<semaphore_mem>>
        %dma_start3A_660 = arith.constant 0 : i32
        %dma_start3A_661 = tpu.memref_slice %arg6[%run_scoped3A_429, %run_scoped3A_430, %dma_start3A_660] : memref<2x8x128xi32, #tpu.memory_space<vmem>> -> memref<1x1x128xi32, #tpu.memory_space<vmem>>
        %dma_start3A_662 = tpu.memref_squeeze %dma_start3A_661 : memref<1x1x128xi32, #tpu.memory_space<vmem>> -> memref<128xi32, #tpu.memory_space<vmem>>
        %dma_start3A_663 = arith.constant 0 : i32
        %dma_start3A_664 = arith.constant 0 : i32
        %dma_start3A_665 = tpu.memref_slice %arg16[%dma_start3A_663, %dma_start3A_664] : memref<10112x128xf32, #tpu.memory_space<vmem_shared>> -> memref<10112x128xf32, #tpu.memory_space<vmem_shared>>
        tpu.enqueue_indirect_dma source(%arg8 : memref<128x128xf32, #tpu.memory_space<vmem>>) target(%dma_start3A_665 : memref<10112x128xf32, #tpu.memory_space<vmem_shared>>) offsets(%dma_start3A_662 : memref<128xi32, #tpu.memory_space<vmem>>) semaphore(%run_scoped3A_659 : memref<!tpu.dma_semaphore, #tpu.memory_space<semaphore_mem>>) {add = true}
        %dma_wait3A_666 = arith.constant 0 : i32
        %dma_wait3A_667 = tpu.memref_slice %arg6[%run_scoped3A_429, %run_scoped3A_430, %dma_wait3A_666] : memref<2x8x128xi32, #tpu.memory_space<vmem>> -> memref<1x1x128xi32, #tpu.memory_space<vmem>>
        %dma_wait3A_668 = tpu.memref_squeeze %dma_wait3A_667 : memref<1x1x128xi32, #tpu.memory_space<vmem>> -> memref<128xi32, #tpu.memory_space<vmem>>
        %dma_wait3A_669 = arith.constant 0 : i32
        %dma_wait3A_670 = arith.constant 0 : i32
        %dma_wait3A_671 = tpu.memref_slice %arg16[%dma_wait3A_669, %dma_wait3A_670] : memref<10112x128xf32, #tpu.memory_space<vmem_shared>> -> memref<10112x128xf32, #tpu.memory_space<vmem_shared>>
        tpu.wait_indirect_dma semaphore(%run_scoped3A_659 : memref<!tpu.dma_semaphore, #tpu.memory_space<semaphore_mem>>) src(%arg8 : memref<128x128xf32, #tpu.memory_space<vmem>>) dst(%dma_wait3A_671 : memref<10112x128xf32, #tpu.memory_space<vmem_shared>>)
        tpu.yield
      }) : () -> ()
      %dma_wait3A_431 = arith.constant 0 : i32
      %dma_wait3A_432 = arith.constant 7 : i32
      %dma_wait3A_433 = arith.constant 0 : i32
      %dma_wait3A_434 = tpu.memref_slice %arg7[%dma_wait3A_431, %dma_wait3A_432, %dma_wait3A_433] : memref<2x8x128xi32, #tpu.memory_space<vmem>> -> memref<1x1x128xi32, #tpu.memory_space<vmem>>
      %dma_wait3A_435 = tpu.memref_squeeze %dma_wait3A_434 : memref<1x1x128xi32, #tpu.memory_space<vmem>> -> memref<128xi32, #tpu.memory_space<vmem>>
      %dma_wait3A_436 = arith.constant 0 : i32
      %dma_wait3A_437 = arith.constant 0 : i32
      %dma_wait3A_438 = tpu.memref_slice %arg2[%dma_wait3A_436, %dma_wait3A_437] : memref<17680x128xf32, #tpu.memory_space<hbm>> -> memref<17680x128xf32, #tpu.memory_space<hbm>>
      tpu.wait_indirect_dma semaphore(%arg11 : memref<!tpu.dma_semaphore, #tpu.memory_space<semaphore_mem>>) src(%dma_wait3A_438 : memref<17680x128xf32, #tpu.memory_space<hbm>>) dst(%arg9 : memref<128x128xf32, #tpu.memory_space<vmem>>)
      %run_scoped3A_439 = arith.constant 0 : i32
      %run_scoped3A_440 = arith.constant 7 : i32
      "tpu.region"() ({
        %run_scoped3A_659 = tpu.sem_alloc : memref<!tpu.dma_semaphore, #tpu.memory_space<semaphore_mem>>
        %dma_start3A_660 = arith.constant 0 : i32
        %dma_start3A_661 = tpu.memref_slice %arg6[%run_scoped3A_439, %run_scoped3A_440, %dma_start3A_660] : memref<2x8x128xi32, #tpu.memory_space<vmem>> -> memref<1x1x128xi32, #tpu.memory_space<vmem>>
        %dma_start3A_662 = tpu.memref_squeeze %dma_start3A_661 : memref<1x1x128xi32, #tpu.memory_space<vmem>> -> memref<128xi32, #tpu.memory_space<vmem>>
        %dma_start3A_663 = arith.constant 0 : i32
        %dma_start3A_664 = arith.constant 0 : i32
        %dma_start3A_665 = tpu.memref_slice %arg16[%dma_start3A_663, %dma_start3A_664] : memref<10112x128xf32, #tpu.memory_space<vmem_shared>> -> memref<10112x128xf32, #tpu.memory_space<vmem_shared>>
        tpu.enqueue_indirect_dma source(%arg9 : memref<128x128xf32, #tpu.memory_space<vmem>>) target(%dma_start3A_665 : memref<10112x128xf32, #tpu.memory_space<vmem_shared>>) offsets(%dma_start3A_662 : memref<128xi32, #tpu.memory_space<vmem>>) semaphore(%run_scoped3A_659 : memref<!tpu.dma_semaphore, #tpu.memory_space<semaphore_mem>>) {add = true}
        %dma_wait3A_666 = arith.constant 0 : i32
        %dma_wait3A_667 = tpu.memref_slice %arg6[%run_scoped3A_439, %run_scoped3A_440, %dma_wait3A_666] : memref<2x8x128xi32, #tpu.memory_space<vmem>> -> memref<1x1x128xi32, #tpu.memory_space<vmem>>
        %dma_wait3A_668 = tpu.memref_squeeze %dma_wait3A_667 : memref<1x1x128xi32, #tpu.memory_space<vmem>> -> memref<128xi32, #tpu.memory_space<vmem>>
        %dma_wait3A_669 = arith.constant 0 : i32
        %dma_wait3A_670 = arith.constant 0 : i32
        %dma_wait3A_671 = tpu.memref_slice %arg16[%dma_wait3A_669, %dma_wait3A_670] : memref<10112x128xf32, #tpu.memory_space<vmem_shared>> -> memref<10112x128xf32, #tpu.memory_space<vmem_shared>>
        tpu.wait_indirect_dma semaphore(%run_scoped3A_659 : memref<!tpu.dma_semaphore, #tpu.memory_space<semaphore_mem>>) src(%arg9 : memref<128x128xf32, #tpu.memory_space<vmem>>) dst(%dma_wait3A_671 : memref<10112x128xf32, #tpu.memory_space<vmem_shared>>)
        tpu.yield
      }) : () -> ()
      %mul3A_441 = arith.constant 2 : i32
      %mul3A_442 = arith.muli %mul3A_441, %scan3A_223 : i32
      %add3A_443 = arith.constant 1 : i32
      %add3A_444 = arith.addi %mul3A_442, %add3A_443 : i32
      %mul3A_445 = arith.constant 8 : i32
      %mul3A_446 = arith.muli %add3A_444, %mul3A_445 : i32
      %dma_wait3A_447 = arith.constant 1 : i32
      %dma_wait3A_448 = arith.constant 0 : i32
      %dma_wait3A_449 = arith.constant 0 : i32
      %dma_wait3A_450 = tpu.memref_slice %arg6[%dma_wait3A_447, %dma_wait3A_448, %dma_wait3A_449] : memref<2x8x128xi32, #tpu.memory_space<vmem>> -> memref<1x8x128xi32, #tpu.memory_space<vmem>>
      %dma_wait3A_451 = tpu.memref_squeeze %dma_wait3A_450 : memref<1x8x128xi32, #tpu.memory_space<vmem>> -> memref<8x128xi32, #tpu.memory_space<vmem>>
      %dma_wait3A_452 = arith.constant 0 : i32
      %dma_wait3A_453 = tpu.memref_slice %arg3[%add3A, %mul3A_446, %dma_wait3A_452] : memref<32x88x128xi32, #tpu.memory_space<hbm>> -> memref<1x8x128xi32, #tpu.memory_space<hbm>>
      %dma_wait3A_454 = tpu.memref_squeeze %dma_wait3A_453 : memref<1x8x128xi32, #tpu.memory_space<hbm>> -> memref<8x128xi32, #tpu.memory_space<hbm>>
      %dma_wait3A_455 = arith.constant 0 : i32
      %dma_wait3A_456 = arith.constant 0 : i32
      %dma_wait3A_457 = tpu.memref_slice %arg6[%dma_wait3A_447, %dma_wait3A_455, %dma_wait3A_456] : memref<2x8x128xi32, #tpu.memory_space<vmem>> -> memref<1x8x128xi32, #tpu.memory_space<vmem>>
      %dma_wait3A_458 = tpu.memref_squeeze %dma_wait3A_457 : memref<1x8x128xi32, #tpu.memory_space<vmem>> -> memref<8x128xi32, #tpu.memory_space<vmem>>
      %dma_wait3A_459 = arith.constant 0 : i32
      %dma_wait3A_460 = tpu.memref_slice %arg3[%add3A, %mul3A_446, %dma_wait3A_459] : memref<32x88x128xi32, #tpu.memory_space<hbm>> -> memref<1x8x128xi32, #tpu.memory_space<hbm>>
      %dma_wait3A_461 = tpu.memref_squeeze %dma_wait3A_460 : memref<1x8x128xi32, #tpu.memory_space<hbm>> -> memref<8x128xi32, #tpu.memory_space<hbm>>
      tpu.wait_dma2 semaphore(%arg13 : memref<!tpu.dma_semaphore, #tpu.memory_space<semaphore_mem>>) src(%dma_wait3A_461 : memref<8x128xi32, #tpu.memory_space<hbm>>) dst(%dma_wait3A_458 : memref<8x128xi32, #tpu.memory_space<vmem>>)
      %mul3A_462 = arith.constant 8 : i32
      %mul3A_463 = arith.muli %add3A_444, %mul3A_462 : i32
      %dma_wait3A_464 = arith.constant 1 : i32
      %dma_wait3A_465 = arith.constant 0 : i32
      %dma_wait3A_466 = arith.constant 0 : i32
      %dma_wait3A_467 = tpu.memref_slice %arg7[%dma_wait3A_464, %dma_wait3A_465, %dma_wait3A_466] : memref<2x8x128xi32, #tpu.memory_space<vmem>> -> memref<1x8x128xi32, #tpu.memory_space<vmem>>
      %dma_wait3A_468 = tpu.memref_squeeze %dma_wait3A_467 : memref<1x8x128xi32, #tpu.memory_space<vmem>> -> memref<8x128xi32, #tpu.memory_space<vmem>>
      %dma_wait3A_469 = arith.constant 0 : i32
      %dma_wait3A_470 = tpu.memref_slice %arg4[%add3A, %mul3A_463, %dma_wait3A_469] : memref<32x88x128xi32, #tpu.memory_space<hbm>> -> memref<1x8x128xi32, #tpu.memory_space<hbm>>
      %dma_wait3A_471 = tpu.memref_squeeze %dma_wait3A_470 : memref<1x8x128xi32, #tpu.memory_space<hbm>> -> memref<8x128xi32, #tpu.memory_space<hbm>>
      %dma_wait3A_472 = arith.constant 0 : i32
      %dma_wait3A_473 = arith.constant 0 : i32
      %dma_wait3A_474 = tpu.memref_slice %arg7[%dma_wait3A_464, %dma_wait3A_472, %dma_wait3A_473] : memref<2x8x128xi32, #tpu.memory_space<vmem>> -> memref<1x8x128xi32, #tpu.memory_space<vmem>>
      %dma_wait3A_475 = tpu.memref_squeeze %dma_wait3A_474 : memref<1x8x128xi32, #tpu.memory_space<vmem>> -> memref<8x128xi32, #tpu.memory_space<vmem>>
      %dma_wait3A_476 = arith.constant 0 : i32
      %dma_wait3A_477 = tpu.memref_slice %arg4[%add3A, %mul3A_463, %dma_wait3A_476] : memref<32x88x128xi32, #tpu.memory_space<hbm>> -> memref<1x8x128xi32, #tpu.memory_space<hbm>>
      %dma_wait3A_478 = tpu.memref_squeeze %dma_wait3A_477 : memref<1x8x128xi32, #tpu.memory_space<hbm>> -> memref<8x128xi32, #tpu.memory_space<hbm>>
      tpu.wait_dma2 semaphore(%arg15 : memref<!tpu.dma_semaphore, #tpu.memory_space<semaphore_mem>>) src(%dma_wait3A_478 : memref<8x128xi32, #tpu.memory_space<hbm>>) dst(%dma_wait3A_475 : memref<8x128xi32, #tpu.memory_space<vmem>>)
      %add3A_479 = arith.constant 1 : i32
      %add3A_480 = arith.addi %add3A_444, %add3A_479 : i32
      %mul3A_481 = arith.constant 8 : i32
      %mul3A_482 = arith.muli %add3A_480, %mul3A_481 : i32
      %dma_start3A_483 = arith.constant 0 : i32
      %dma_start3A_484 = arith.constant 0 : i32
      %dma_start3A_485 = arith.constant 0 : i32
      %dma_start3A_486 = tpu.memref_slice %arg6[%dma_start3A_483, %dma_start3A_484, %dma_start3A_485] : memref<2x8x128xi32, #tpu.memory_space<vmem>> -> memref<1x8x128xi32, #tpu.memory_space<vmem>>
      %dma_start3A_487 = tpu.memref_squeeze %dma_start3A_486 : memref<1x8x128xi32, #tpu.memory_space<vmem>> -> memref<8x128xi32, #tpu.memory_space<vmem>>
      %dma_start3A_488 = arith.constant 0 : i32
      %dma_start3A_489 = tpu.memref_slice %arg3[%add3A, %mul3A_482, %dma_start3A_488] : memref<32x88x128xi32, #tpu.memory_space<hbm>> -> memref<1x8x128xi32, #tpu.memory_space<hbm>>
      %dma_start3A_490 = tpu.memref_squeeze %dma_start3A_489 : memref<1x8x128xi32, #tpu.memory_space<hbm>> -> memref<8x128xi32, #tpu.memory_space<hbm>>
      %dma_start3A_491 = arith.constant 0 : i32
      %dma_start3A_492 = arith.constant 0 : i32
      %dma_start3A_493 = tpu.memref_slice %arg6[%dma_start3A_483, %dma_start3A_491, %dma_start3A_492] : memref<2x8x128xi32, #tpu.memory_space<vmem>> -> memref<1x8x128xi32, #tpu.memory_space<vmem>>
      %dma_start3A_494 = tpu.memref_squeeze %dma_start3A_493 : memref<1x8x128xi32, #tpu.memory_space<vmem>> -> memref<8x128xi32, #tpu.memory_space<vmem>>
      %dma_start3A_495 = arith.constant 0 : i32
      %dma_start3A_496 = tpu.memref_slice %arg3[%add3A, %mul3A_482, %dma_start3A_495] : memref<32x88x128xi32, #tpu.memory_space<hbm>> -> memref<1x8x128xi32, #tpu.memory_space<hbm>>
      %dma_start3A_497 = tpu.memref_squeeze %dma_start3A_496 : memref<1x8x128xi32, #tpu.memory_space<hbm>> -> memref<8x128xi32, #tpu.memory_space<hbm>>
      tpu.enqueue_dma source(%dma_start3A_497 : memref<8x128xi32, #tpu.memory_space<hbm>>) target(%dma_start3A_494 : memref<8x128xi32, #tpu.memory_space<vmem>>) target_semaphore(%arg12 : memref<!tpu.dma_semaphore, #tpu.memory_space<semaphore_mem>>)
      %mul3A_498 = arith.constant 8 : i32
      %mul3A_499 = arith.muli %add3A_480, %mul3A_498 : i32
      %dma_start3A_500 = arith.constant 0 : i32
      %dma_start3A_501 = arith.constant 0 : i32
      %dma_start3A_502 = arith.constant 0 : i32
      %dma_start3A_503 = tpu.memref_slice %arg7[%dma_start3A_500, %dma_start3A_501, %dma_start3A_502] : memref<2x8x128xi32, #tpu.memory_space<vmem>> -> memref<1x8x128xi32, #tpu.memory_space<vmem>>
      %dma_start3A_504 = tpu.memref_squeeze %dma_start3A_503 : memref<1x8x128xi32, #tpu.memory_space<vmem>> -> memref<8x128xi32, #tpu.memory_space<vmem>>
      %dma_start3A_505 = arith.constant 0 : i32
      %dma_start3A_506 = tpu.memref_slice %arg4[%add3A, %mul3A_499, %dma_start3A_505] : memref<32x88x128xi32, #tpu.memory_space<hbm>> -> memref<1x8x128xi32, #tpu.memory_space<hbm>>
      %dma_start3A_507 = tpu.memref_squeeze %dma_start3A_506 : memref<1x8x128xi32, #tpu.memory_space<hbm>> -> memref<8x128xi32, #tpu.memory_space<hbm>>
      %dma_start3A_508 = arith.constant 0 : i32
      %dma_start3A_509 = arith.constant 0 : i32
      %dma_start3A_510 = tpu.memref_slice %arg7[%dma_start3A_500, %dma_start3A_508, %dma_start3A_509] : memref<2x8x128xi32, #tpu.memory_space<vmem>> -> memref<1x8x128xi32, #tpu.memory_space<vmem>>
      %dma_start3A_511 = tpu.memref_squeeze %dma_start3A_510 : memref<1x8x128xi32, #tpu.memory_space<vmem>> -> memref<8x128xi32, #tpu.memory_space<vmem>>
      %dma_start3A_512 = arith.constant 0 : i32
      %dma_start3A_513 = tpu.memref_slice %arg4[%add3A, %mul3A_499, %dma_start3A_512] : memref<32x88x128xi32, #tpu.memory_space<hbm>> -> memref<1x8x128xi32, #tpu.memory_space<hbm>>
      %dma_start3A_514 = tpu.memref_squeeze %dma_start3A_513 : memref<1x8x128xi32, #tpu.memory_space<hbm>> -> memref<8x128xi32, #tpu.memory_space<hbm>>
      tpu.enqueue_dma source(%dma_start3A_514 : memref<8x128xi32, #tpu.memory_space<hbm>>) target(%dma_start3A_511 : memref<8x128xi32, #tpu.memory_space<vmem>>) target_semaphore(%arg14 : memref<!tpu.dma_semaphore, #tpu.memory_space<semaphore_mem>>)
      %dma_start3A_515 = arith.constant 1 : i32
      %dma_start3A_516 = arith.constant 0 : i32
      %dma_start3A_517 = arith.constant 0 : i32
      %dma_start3A_518 = tpu.memref_slice %arg7[%dma_start3A_515, %dma_start3A_516, %dma_start3A_517] : memref<2x8x128xi32, #tpu.memory_space<vmem>> -> memref<1x1x128xi32, #tpu.memory_space<vmem>>
      %dma_start3A_519 = tpu.memref_squeeze %dma_start3A_518 : memref<1x1x128xi32, #tpu.memory_space<vmem>> -> memref<128xi32, #tpu.memory_space<vmem>>
      %dma_start3A_520 = arith.constant 0 : i32
      %dma_start3A_521 = arith.constant 0 : i32
      %dma_start3A_522 = tpu.memref_slice %arg2[%dma_start3A_520, %dma_start3A_521] : memref<17680x128xf32, #tpu.memory_space<hbm>> -> memref<17680x128xf32, #tpu.memory_space<hbm>>
      tpu.enqueue_indirect_dma source(%dma_start3A_522 : memref<17680x128xf32, #tpu.memory_space<hbm>>) target(%arg8 : memref<128x128xf32, #tpu.memory_space<vmem>>) offsets(%dma_start3A_519 : memref<128xi32, #tpu.memory_space<vmem>>) semaphore(%arg10 : memref<!tpu.dma_semaphore, #tpu.memory_space<semaphore_mem>>)
      %dma_start3A_523 = arith.constant 1 : i32
      %dma_start3A_524 = arith.constant 1 : i32
      %dma_start3A_525 = arith.constant 0 : i32
      %dma_start3A_526 = tpu.memref_slice %arg7[%dma_start3A_523, %dma_start3A_524, %dma_start3A_525] : memref<2x8x128xi32, #tpu.memory_space<vmem>> -> memref<1x1x128xi32, #tpu.memory_space<vmem>>
      %dma_start3A_527 = tpu.memref_squeeze %dma_start3A_526 : memref<1x1x128xi32, #tpu.memory_space<vmem>> -> memref<128xi32, #tpu.memory_space<vmem>>
      %dma_start3A_528 = arith.constant 0 : i32
      %dma_start3A_529 = arith.constant 0 : i32
      %dma_start3A_530 = tpu.memref_slice %arg2[%dma_start3A_528, %dma_start3A_529] : memref<17680x128xf32, #tpu.memory_space<hbm>> -> memref<17680x128xf32, #tpu.memory_space<hbm>>
      tpu.enqueue_indirect_dma source(%dma_start3A_530 : memref<17680x128xf32, #tpu.memory_space<hbm>>) target(%arg9 : memref<128x128xf32, #tpu.memory_space<vmem>>) offsets(%dma_start3A_527 : memref<128xi32, #tpu.memory_space<vmem>>) semaphore(%arg11 : memref<!tpu.dma_semaphore, #tpu.memory_space<semaphore_mem>>)
      %dma_wait3A_531 = arith.constant 1 : i32
      %dma_wait3A_532 = arith.constant 0 : i32
      %dma_wait3A_533 = arith.constant 0 : i32
      %dma_wait3A_534 = tpu.memref_slice %arg7[%dma_wait3A_531, %dma_wait3A_532, %dma_wait3A_533] : memref<2x8x128xi32, #tpu.memory_space<vmem>> -> memref<1x1x128xi32, #tpu.memory_space<vmem>>
      %dma_wait3A_535 = tpu.memref_squeeze %dma_wait3A_534 : memref<1x1x128xi32, #tpu.memory_space<vmem>> -> memref<128xi32, #tpu.memory_space<vmem>>
      %dma_wait3A_536 = arith.constant 0 : i32
      %dma_wait3A_537 = arith.constant 0 : i32
      %dma_wait3A_538 = tpu.memref_slice %arg2[%dma_wait3A_536, %dma_wait3A_537] : memref<17680x128xf32, #tpu.memory_space<hbm>> -> memref<17680x128xf32, #tpu.memory_space<hbm>>
      tpu.wait_indirect_dma semaphore(%arg10 : memref<!tpu.dma_semaphore, #tpu.memory_space<semaphore_mem>>) src(%dma_wait3A_538 : memref<17680x128xf32, #tpu.memory_space<hbm>>) dst(%arg8 : memref<128x128xf32, #tpu.memory_space<vmem>>)
      %run_scoped3A_539 = arith.constant 1 : i32
      %run_scoped3A_540 = arith.constant 0 : i32
      "tpu.region"() ({
        %run_scoped3A_659 = tpu.sem_alloc : memref<!tpu.dma_semaphore, #tpu.memory_space<semaphore_mem>>
        %dma_start3A_660 = arith.constant 0 : i32
        %dma_start3A_661 = tpu.memref_slice %arg6[%run_scoped3A_539, %run_scoped3A_540, %dma_start3A_660] : memref<2x8x128xi32, #tpu.memory_space<vmem>> -> memref<1x1x128xi32, #tpu.memory_space<vmem>>
        %dma_start3A_662 = tpu.memref_squeeze %dma_start3A_661 : memref<1x1x128xi32, #tpu.memory_space<vmem>> -> memref<128xi32, #tpu.memory_space<vmem>>
        %dma_start3A_663 = arith.constant 0 : i32
        %dma_start3A_664 = arith.constant 0 : i32
        %dma_start3A_665 = tpu.memref_slice %arg16[%dma_start3A_663, %dma_start3A_664] : memref<10112x128xf32, #tpu.memory_space<vmem_shared>> -> memref<10112x128xf32, #tpu.memory_space<vmem_shared>>
        tpu.enqueue_indirect_dma source(%arg8 : memref<128x128xf32, #tpu.memory_space<vmem>>) target(%dma_start3A_665 : memref<10112x128xf32, #tpu.memory_space<vmem_shared>>) offsets(%dma_start3A_662 : memref<128xi32, #tpu.memory_space<vmem>>) semaphore(%run_scoped3A_659 : memref<!tpu.dma_semaphore, #tpu.memory_space<semaphore_mem>>) {add = true}
        %dma_wait3A_666 = arith.constant 0 : i32
        %dma_wait3A_667 = tpu.memref_slice %arg6[%run_scoped3A_539, %run_scoped3A_540, %dma_wait3A_666] : memref<2x8x128xi32, #tpu.memory_space<vmem>> -> memref<1x1x128xi32, #tpu.memory_space<vmem>>
        %dma_wait3A_668 = tpu.memref_squeeze %dma_wait3A_667 : memref<1x1x128xi32, #tpu.memory_space<vmem>> -> memref<128xi32, #tpu.memory_space<vmem>>
        %dma_wait3A_669 = arith.constant 0 : i32
        %dma_wait3A_670 = arith.constant 0 : i32
        %dma_wait3A_671 = tpu.memref_slice %arg16[%dma_wait3A_669, %dma_wait3A_670] : memref<10112x128xf32, #tpu.memory_space<vmem_shared>> -> memref<10112x128xf32, #tpu.memory_space<vmem_shared>>
        tpu.wait_indirect_dma semaphore(%run_scoped3A_659 : memref<!tpu.dma_semaphore, #tpu.memory_space<semaphore_mem>>) src(%arg8 : memref<128x128xf32, #tpu.memory_space<vmem>>) dst(%dma_wait3A_671 : memref<10112x128xf32, #tpu.memory_space<vmem_shared>>)
        tpu.yield
      }) : () -> ()
      %dma_start3A_541 = arith.constant 1 : i32
      %dma_start3A_542 = arith.constant 2 : i32
      %dma_start3A_543 = arith.constant 0 : i32
      %dma_start3A_544 = tpu.memref_slice %arg7[%dma_start3A_541, %dma_start3A_542, %dma_start3A_543] : memref<2x8x128xi32, #tpu.memory_space<vmem>> -> memref<1x1x128xi32, #tpu.memory_space<vmem>>
      %dma_start3A_545 = tpu.memref_squeeze %dma_start3A_544 : memref<1x1x128xi32, #tpu.memory_space<vmem>> -> memref<128xi32, #tpu.memory_space<vmem>>
      %dma_start3A_546 = arith.constant 0 : i32
      %dma_start3A_547 = arith.constant 0 : i32
      %dma_start3A_548 = tpu.memref_slice %arg2[%dma_start3A_546, %dma_start3A_547] : memref<17680x128xf32, #tpu.memory_space<hbm>> -> memref<17680x128xf32, #tpu.memory_space<hbm>>
      tpu.enqueue_indirect_dma source(%dma_start3A_548 : memref<17680x128xf32, #tpu.memory_space<hbm>>) target(%arg8 : memref<128x128xf32, #tpu.memory_space<vmem>>) offsets(%dma_start3A_545 : memref<128xi32, #tpu.memory_space<vmem>>) semaphore(%arg10 : memref<!tpu.dma_semaphore, #tpu.memory_space<semaphore_mem>>)
      %dma_wait3A_549 = arith.constant 1 : i32
      %dma_wait3A_550 = arith.constant 1 : i32
      %dma_wait3A_551 = arith.constant 0 : i32
      %dma_wait3A_552 = tpu.memref_slice %arg7[%dma_wait3A_549, %dma_wait3A_550, %dma_wait3A_551] : memref<2x8x128xi32, #tpu.memory_space<vmem>> -> memref<1x1x128xi32, #tpu.memory_space<vmem>>
      %dma_wait3A_553 = tpu.memref_squeeze %dma_wait3A_552 : memref<1x1x128xi32, #tpu.memory_space<vmem>> -> memref<128xi32, #tpu.memory_space<vmem>>
      %dma_wait3A_554 = arith.constant 0 : i32
      %dma_wait3A_555 = arith.constant 0 : i32
      %dma_wait3A_556 = tpu.memref_slice %arg2[%dma_wait3A_554, %dma_wait3A_555] : memref<17680x128xf32, #tpu.memory_space<hbm>> -> memref<17680x128xf32, #tpu.memory_space<hbm>>
      tpu.wait_indirect_dma semaphore(%arg11 : memref<!tpu.dma_semaphore, #tpu.memory_space<semaphore_mem>>) src(%dma_wait3A_556 : memref<17680x128xf32, #tpu.memory_space<hbm>>) dst(%arg9 : memref<128x128xf32, #tpu.memory_space<vmem>>)
      %run_scoped3A_557 = arith.constant 1 : i32
      %run_scoped3A_558 = arith.constant 1 : i32
      "tpu.region"() ({
        %run_scoped3A_659 = tpu.sem_alloc : memref<!tpu.dma_semaphore, #tpu.memory_space<semaphore_mem>>
        %dma_start3A_660 = arith.constant 0 : i32
        %dma_start3A_661 = tpu.memref_slice %arg6[%run_scoped3A_557, %run_scoped3A_558, %dma_start3A_660] : memref<2x8x128xi32, #tpu.memory_space<vmem>> -> memref<1x1x128xi32, #tpu.memory_space<vmem>>
        %dma_start3A_662 = tpu.memref_squeeze %dma_start3A_661 : memref<1x1x128xi32, #tpu.memory_space<vmem>> -> memref<128xi32, #tpu.memory_space<vmem>>
        %dma_start3A_663 = arith.constant 0 : i32
        %dma_start3A_664 = arith.constant 0 : i32
        %dma_start3A_665 = tpu.memref_slice %arg16[%dma_start3A_663, %dma_start3A_664] : memref<10112x128xf32, #tpu.memory_space<vmem_shared>> -> memref<10112x128xf32, #tpu.memory_space<vmem_shared>>
        tpu.enqueue_indirect_dma source(%arg9 : memref<128x128xf32, #tpu.memory_space<vmem>>) target(%dma_start3A_665 : memref<10112x128xf32, #tpu.memory_space<vmem_shared>>) offsets(%dma_start3A_662 : memref<128xi32, #tpu.memory_space<vmem>>) semaphore(%run_scoped3A_659 : memref<!tpu.dma_semaphore, #tpu.memory_space<semaphore_mem>>) {add = true}
        %dma_wait3A_666 = arith.constant 0 : i32
        %dma_wait3A_667 = tpu.memref_slice %arg6[%run_scoped3A_557, %run_scoped3A_558, %dma_wait3A_666] : memref<2x8x128xi32, #tpu.memory_space<vmem>> -> memref<1x1x128xi32, #tpu.memory_space<vmem>>
        %dma_wait3A_668 = tpu.memref_squeeze %dma_wait3A_667 : memref<1x1x128xi32, #tpu.memory_space<vmem>> -> memref<128xi32, #tpu.memory_space<vmem>>
        %dma_wait3A_669 = arith.constant 0 : i32
        %dma_wait3A_670 = arith.constant 0 : i32
        %dma_wait3A_671 = tpu.memref_slice %arg16[%dma_wait3A_669, %dma_wait3A_670] : memref<10112x128xf32, #tpu.memory_space<vmem_shared>> -> memref<10112x128xf32, #tpu.memory_space<vmem_shared>>
        tpu.wait_indirect_dma semaphore(%run_scoped3A_659 : memref<!tpu.dma_semaphore, #tpu.memory_space<semaphore_mem>>) src(%arg9 : memref<128x128xf32, #tpu.memory_space<vmem>>) dst(%dma_wait3A_671 : memref<10112x128xf32, #tpu.memory_space<vmem_shared>>)
        tpu.yield
      }) : () -> ()
      %dma_start3A_559 = arith.constant 1 : i32
      %dma_start3A_560 = arith.constant 3 : i32
      %dma_start3A_561 = arith.constant 0 : i32
      %dma_start3A_562 = tpu.memref_slice %arg7[%dma_start3A_559, %dma_start3A_560, %dma_start3A_561] : memref<2x8x128xi32, #tpu.memory_space<vmem>> -> memref<1x1x128xi32, #tpu.memory_space<vmem>>
      %dma_start3A_563 = tpu.memref_squeeze %dma_start3A_562 : memref<1x1x128xi32, #tpu.memory_space<vmem>> -> memref<128xi32, #tpu.memory_space<vmem>>
      %dma_start3A_564 = arith.constant 0 : i32
      %dma_start3A_565 = arith.constant 0 : i32
      %dma_start3A_566 = tpu.memref_slice %arg2[%dma_start3A_564, %dma_start3A_565] : memref<17680x128xf32, #tpu.memory_space<hbm>> -> memref<17680x128xf32, #tpu.memory_space<hbm>>
      tpu.enqueue_indirect_dma source(%dma_start3A_566 : memref<17680x128xf32, #tpu.memory_space<hbm>>) target(%arg9 : memref<128x128xf32, #tpu.memory_space<vmem>>) offsets(%dma_start3A_563 : memref<128xi32, #tpu.memory_space<vmem>>) semaphore(%arg11 : memref<!tpu.dma_semaphore, #tpu.memory_space<semaphore_mem>>)
      %dma_wait3A_567 = arith.constant 1 : i32
      %dma_wait3A_568 = arith.constant 2 : i32
      %dma_wait3A_569 = arith.constant 0 : i32
      %dma_wait3A_570 = tpu.memref_slice %arg7[%dma_wait3A_567, %dma_wait3A_568, %dma_wait3A_569] : memref<2x8x128xi32, #tpu.memory_space<vmem>> -> memref<1x1x128xi32, #tpu.memory_space<vmem>>
      %dma_wait3A_571 = tpu.memref_squeeze %dma_wait3A_570 : memref<1x1x128xi32, #tpu.memory_space<vmem>> -> memref<128xi32, #tpu.memory_space<vmem>>
      %dma_wait3A_572 = arith.constant 0 : i32
      %dma_wait3A_573 = arith.constant 0 : i32
      %dma_wait3A_574 = tpu.memref_slice %arg2[%dma_wait3A_572, %dma_wait3A_573] : memref<17680x128xf32, #tpu.memory_space<hbm>> -> memref<17680x128xf32, #tpu.memory_space<hbm>>
      tpu.wait_indirect_dma semaphore(%arg10 : memref<!tpu.dma_semaphore, #tpu.memory_space<semaphore_mem>>) src(%dma_wait3A_574 : memref<17680x128xf32, #tpu.memory_space<hbm>>) dst(%arg8 : memref<128x128xf32, #tpu.memory_space<vmem>>)
      %run_scoped3A_575 = arith.constant 1 : i32
      %run_scoped3A_576 = arith.constant 2 : i32
      "tpu.region"() ({
        %run_scoped3A_659 = tpu.sem_alloc : memref<!tpu.dma_semaphore, #tpu.memory_space<semaphore_mem>>
        %dma_start3A_660 = arith.constant 0 : i32
        %dma_start3A_661 = tpu.memref_slice %arg6[%run_scoped3A_575, %run_scoped3A_576, %dma_start3A_660] : memref<2x8x128xi32, #tpu.memory_space<vmem>> -> memref<1x1x128xi32, #tpu.memory_space<vmem>>
        %dma_start3A_662 = tpu.memref_squeeze %dma_start3A_661 : memref<1x1x128xi32, #tpu.memory_space<vmem>> -> memref<128xi32, #tpu.memory_space<vmem>>
        %dma_start3A_663 = arith.constant 0 : i32
        %dma_start3A_664 = arith.constant 0 : i32
        %dma_start3A_665 = tpu.memref_slice %arg16[%dma_start3A_663, %dma_start3A_664] : memref<10112x128xf32, #tpu.memory_space<vmem_shared>> -> memref<10112x128xf32, #tpu.memory_space<vmem_shared>>
        tpu.enqueue_indirect_dma source(%arg8 : memref<128x128xf32, #tpu.memory_space<vmem>>) target(%dma_start3A_665 : memref<10112x128xf32, #tpu.memory_space<vmem_shared>>) offsets(%dma_start3A_662 : memref<128xi32, #tpu.memory_space<vmem>>) semaphore(%run_scoped3A_659 : memref<!tpu.dma_semaphore, #tpu.memory_space<semaphore_mem>>) {add = true}
        %dma_wait3A_666 = arith.constant 0 : i32
        %dma_wait3A_667 = tpu.memref_slice %arg6[%run_scoped3A_575, %run_scoped3A_576, %dma_wait3A_666] : memref<2x8x128xi32, #tpu.memory_space<vmem>> -> memref<1x1x128xi32, #tpu.memory_space<vmem>>
        %dma_wait3A_668 = tpu.memref_squeeze %dma_wait3A_667 : memref<1x1x128xi32, #tpu.memory_space<vmem>> -> memref<128xi32, #tpu.memory_space<vmem>>
        %dma_wait3A_669 = arith.constant 0 : i32
        %dma_wait3A_670 = arith.constant 0 : i32
        %dma_wait3A_671 = tpu.memref_slice %arg16[%dma_wait3A_669, %dma_wait3A_670] : memref<10112x128xf32, #tpu.memory_space<vmem_shared>> -> memref<10112x128xf32, #tpu.memory_space<vmem_shared>>
        tpu.wait_indirect_dma semaphore(%run_scoped3A_659 : memref<!tpu.dma_semaphore, #tpu.memory_space<semaphore_mem>>) src(%arg8 : memref<128x128xf32, #tpu.memory_space<vmem>>) dst(%dma_wait3A_671 : memref<10112x128xf32, #tpu.memory_space<vmem_shared>>)
        tpu.yield
      }) : () -> ()
      %dma_start3A_577 = arith.constant 1 : i32
      %dma_start3A_578 = arith.constant 4 : i32
      %dma_start3A_579 = arith.constant 0 : i32
      %dma_start3A_580 = tpu.memref_slice %arg7[%dma_start3A_577, %dma_start3A_578, %dma_start3A_579] : memref<2x8x128xi32, #tpu.memory_space<vmem>> -> memref<1x1x128xi32, #tpu.memory_space<vmem>>
      %dma_start3A_581 = tpu.memref_squeeze %dma_start3A_580 : memref<1x1x128xi32, #tpu.memory_space<vmem>> -> memref<128xi32, #tpu.memory_space<vmem>>
      %dma_start3A_582 = arith.constant 0 : i32
      %dma_start3A_583 = arith.constant 0 : i32
      %dma_start3A_584 = tpu.memref_slice %arg2[%dma_start3A_582, %dma_start3A_583] : memref<17680x128xf32, #tpu.memory_space<hbm>> -> memref<17680x128xf32, #tpu.memory_space<hbm>>
      tpu.enqueue_indirect_dma source(%dma_start3A_584 : memref<17680x128xf32, #tpu.memory_space<hbm>>) target(%arg8 : memref<128x128xf32, #tpu.memory_space<vmem>>) offsets(%dma_start3A_581 : memref<128xi32, #tpu.memory_space<vmem>>) semaphore(%arg10 : memref<!tpu.dma_semaphore, #tpu.memory_space<semaphore_mem>>)
      %dma_wait3A_585 = arith.constant 1 : i32
      %dma_wait3A_586 = arith.constant 3 : i32
      %dma_wait3A_587 = arith.constant 0 : i32
      %dma_wait3A_588 = tpu.memref_slice %arg7[%dma_wait3A_585, %dma_wait3A_586, %dma_wait3A_587] : memref<2x8x128xi32, #tpu.memory_space<vmem>> -> memref<1x1x128xi32, #tpu.memory_space<vmem>>
      %dma_wait3A_589 = tpu.memref_squeeze %dma_wait3A_588 : memref<1x1x128xi32, #tpu.memory_space<vmem>> -> memref<128xi32, #tpu.memory_space<vmem>>
      %dma_wait3A_590 = arith.constant 0 : i32
      %dma_wait3A_591 = arith.constant 0 : i32
      %dma_wait3A_592 = tpu.memref_slice %arg2[%dma_wait3A_590, %dma_wait3A_591] : memref<17680x128xf32, #tpu.memory_space<hbm>> -> memref<17680x128xf32, #tpu.memory_space<hbm>>
      tpu.wait_indirect_dma semaphore(%arg11 : memref<!tpu.dma_semaphore, #tpu.memory_space<semaphore_mem>>) src(%dma_wait3A_592 : memref<17680x128xf32, #tpu.memory_space<hbm>>) dst(%arg9 : memref<128x128xf32, #tpu.memory_space<vmem>>)
      %run_scoped3A_593 = arith.constant 1 : i32
      %run_scoped3A_594 = arith.constant 3 : i32
      "tpu.region"() ({
        %run_scoped3A_659 = tpu.sem_alloc : memref<!tpu.dma_semaphore, #tpu.memory_space<semaphore_mem>>
        %dma_start3A_660 = arith.constant 0 : i32
        %dma_start3A_661 = tpu.memref_slice %arg6[%run_scoped3A_593, %run_scoped3A_594, %dma_start3A_660] : memref<2x8x128xi32, #tpu.memory_space<vmem>> -> memref<1x1x128xi32, #tpu.memory_space<vmem>>
        %dma_start3A_662 = tpu.memref_squeeze %dma_start3A_661 : memref<1x1x128xi32, #tpu.memory_space<vmem>> -> memref<128xi32, #tpu.memory_space<vmem>>
        %dma_start3A_663 = arith.constant 0 : i32
        %dma_start3A_664 = arith.constant 0 : i32
        %dma_start3A_665 = tpu.memref_slice %arg16[%dma_start3A_663, %dma_start3A_664] : memref<10112x128xf32, #tpu.memory_space<vmem_shared>> -> memref<10112x128xf32, #tpu.memory_space<vmem_shared>>
        tpu.enqueue_indirect_dma source(%arg9 : memref<128x128xf32, #tpu.memory_space<vmem>>) target(%dma_start3A_665 : memref<10112x128xf32, #tpu.memory_space<vmem_shared>>) offsets(%dma_start3A_662 : memref<128xi32, #tpu.memory_space<vmem>>) semaphore(%run_scoped3A_659 : memref<!tpu.dma_semaphore, #tpu.memory_space<semaphore_mem>>) {add = true}
        %dma_wait3A_666 = arith.constant 0 : i32
        %dma_wait3A_667 = tpu.memref_slice %arg6[%run_scoped3A_593, %run_scoped3A_594, %dma_wait3A_666] : memref<2x8x128xi32, #tpu.memory_space<vmem>> -> memref<1x1x128xi32, #tpu.memory_space<vmem>>
        %dma_wait3A_668 = tpu.memref_squeeze %dma_wait3A_667 : memref<1x1x128xi32, #tpu.memory_space<vmem>> -> memref<128xi32, #tpu.memory_space<vmem>>
        %dma_wait3A_669 = arith.constant 0 : i32
        %dma_wait3A_670 = arith.constant 0 : i32
        %dma_wait3A_671 = tpu.memref_slice %arg16[%dma_wait3A_669, %dma_wait3A_670] : memref<10112x128xf32, #tpu.memory_space<vmem_shared>> -> memref<10112x128xf32, #tpu.memory_space<vmem_shared>>
        tpu.wait_indirect_dma semaphore(%run_scoped3A_659 : memref<!tpu.dma_semaphore, #tpu.memory_space<semaphore_mem>>) src(%arg9 : memref<128x128xf32, #tpu.memory_space<vmem>>) dst(%dma_wait3A_671 : memref<10112x128xf32, #tpu.memory_space<vmem_shared>>)
        tpu.yield
      }) : () -> ()
      %dma_start3A_595 = arith.constant 1 : i32
      %dma_start3A_596 = arith.constant 5 : i32
      %dma_start3A_597 = arith.constant 0 : i32
      %dma_start3A_598 = tpu.memref_slice %arg7[%dma_start3A_595, %dma_start3A_596, %dma_start3A_597] : memref<2x8x128xi32, #tpu.memory_space<vmem>> -> memref<1x1x128xi32, #tpu.memory_space<vmem>>
      %dma_start3A_599 = tpu.memref_squeeze %dma_start3A_598 : memref<1x1x128xi32, #tpu.memory_space<vmem>> -> memref<128xi32, #tpu.memory_space<vmem>>
      %dma_start3A_600 = arith.constant 0 : i32
      %dma_start3A_601 = arith.constant 0 : i32
      %dma_start3A_602 = tpu.memref_slice %arg2[%dma_start3A_600, %dma_start3A_601] : memref<17680x128xf32, #tpu.memory_space<hbm>> -> memref<17680x128xf32, #tpu.memory_space<hbm>>
      tpu.enqueue_indirect_dma source(%dma_start3A_602 : memref<17680x128xf32, #tpu.memory_space<hbm>>) target(%arg9 : memref<128x128xf32, #tpu.memory_space<vmem>>) offsets(%dma_start3A_599 : memref<128xi32, #tpu.memory_space<vmem>>) semaphore(%arg11 : memref<!tpu.dma_semaphore, #tpu.memory_space<semaphore_mem>>)
      %dma_wait3A_603 = arith.constant 1 : i32
      %dma_wait3A_604 = arith.constant 4 : i32
      %dma_wait3A_605 = arith.constant 0 : i32
      %dma_wait3A_606 = tpu.memref_slice %arg7[%dma_wait3A_603, %dma_wait3A_604, %dma_wait3A_605] : memref<2x8x128xi32, #tpu.memory_space<vmem>> -> memref<1x1x128xi32, #tpu.memory_space<vmem>>
      %dma_wait3A_607 = tpu.memref_squeeze %dma_wait3A_606 : memref<1x1x128xi32, #tpu.memory_space<vmem>> -> memref<128xi32, #tpu.memory_space<vmem>>
      %dma_wait3A_608 = arith.constant 0 : i32
      %dma_wait3A_609 = arith.constant 0 : i32
      %dma_wait3A_610 = tpu.memref_slice %arg2[%dma_wait3A_608, %dma_wait3A_609] : memref<17680x128xf32, #tpu.memory_space<hbm>> -> memref<17680x128xf32, #tpu.memory_space<hbm>>
      tpu.wait_indirect_dma semaphore(%arg10 : memref<!tpu.dma_semaphore, #tpu.memory_space<semaphore_mem>>) src(%dma_wait3A_610 : memref<17680x128xf32, #tpu.memory_space<hbm>>) dst(%arg8 : memref<128x128xf32, #tpu.memory_space<vmem>>)
      %run_scoped3A_611 = arith.constant 1 : i32
      %run_scoped3A_612 = arith.constant 4 : i32
      "tpu.region"() ({
        %run_scoped3A_659 = tpu.sem_alloc : memref<!tpu.dma_semaphore, #tpu.memory_space<semaphore_mem>>
        %dma_start3A_660 = arith.constant 0 : i32
        %dma_start3A_661 = tpu.memref_slice %arg6[%run_scoped3A_611, %run_scoped3A_612, %dma_start3A_660] : memref<2x8x128xi32, #tpu.memory_space<vmem>> -> memref<1x1x128xi32, #tpu.memory_space<vmem>>
        %dma_start3A_662 = tpu.memref_squeeze %dma_start3A_661 : memref<1x1x128xi32, #tpu.memory_space<vmem>> -> memref<128xi32, #tpu.memory_space<vmem>>
        %dma_start3A_663 = arith.constant 0 : i32
        %dma_start3A_664 = arith.constant 0 : i32
        %dma_start3A_665 = tpu.memref_slice %arg16[%dma_start3A_663, %dma_start3A_664] : memref<10112x128xf32, #tpu.memory_space<vmem_shared>> -> memref<10112x128xf32, #tpu.memory_space<vmem_shared>>
        tpu.enqueue_indirect_dma source(%arg8 : memref<128x128xf32, #tpu.memory_space<vmem>>) target(%dma_start3A_665 : memref<10112x128xf32, #tpu.memory_space<vmem_shared>>) offsets(%dma_start3A_662 : memref<128xi32, #tpu.memory_space<vmem>>) semaphore(%run_scoped3A_659 : memref<!tpu.dma_semaphore, #tpu.memory_space<semaphore_mem>>) {add = true}
        %dma_wait3A_666 = arith.constant 0 : i32
        %dma_wait3A_667 = tpu.memref_slice %arg6[%run_scoped3A_611, %run_scoped3A_612, %dma_wait3A_666] : memref<2x8x128xi32, #tpu.memory_space<vmem>> -> memref<1x1x128xi32, #tpu.memory_space<vmem>>
        %dma_wait3A_668 = tpu.memref_squeeze %dma_wait3A_667 : memref<1x1x128xi32, #tpu.memory_space<vmem>> -> memref<128xi32, #tpu.memory_space<vmem>>
        %dma_wait3A_669 = arith.constant 0 : i32
        %dma_wait3A_670 = arith.constant 0 : i32
        %dma_wait3A_671 = tpu.memref_slice %arg16[%dma_wait3A_669, %dma_wait3A_670] : memref<10112x128xf32, #tpu.memory_space<vmem_shared>> -> memref<10112x128xf32, #tpu.memory_space<vmem_shared>>
        tpu.wait_indirect_dma semaphore(%run_scoped3A_659 : memref<!tpu.dma_semaphore, #tpu.memory_space<semaphore_mem>>) src(%arg8 : memref<128x128xf32, #tpu.memory_space<vmem>>) dst(%dma_wait3A_671 : memref<10112x128xf32, #tpu.memory_space<vmem_shared>>)
        tpu.yield
      }) : () -> ()
      %dma_start3A_613 = arith.constant 1 : i32
      %dma_start3A_614 = arith.constant 6 : i32
      %dma_start3A_615 = arith.constant 0 : i32
      %dma_start3A_616 = tpu.memref_slice %arg7[%dma_start3A_613, %dma_start3A_614, %dma_start3A_615] : memref<2x8x128xi32, #tpu.memory_space<vmem>> -> memref<1x1x128xi32, #tpu.memory_space<vmem>>
      %dma_start3A_617 = tpu.memref_squeeze %dma_start3A_616 : memref<1x1x128xi32, #tpu.memory_space<vmem>> -> memref<128xi32, #tpu.memory_space<vmem>>
      %dma_start3A_618 = arith.constant 0 : i32
      %dma_start3A_619 = arith.constant 0 : i32
      %dma_start3A_620 = tpu.memref_slice %arg2[%dma_start3A_618, %dma_start3A_619] : memref<17680x128xf32, #tpu.memory_space<hbm>> -> memref<17680x128xf32, #tpu.memory_space<hbm>>
      tpu.enqueue_indirect_dma source(%dma_start3A_620 : memref<17680x128xf32, #tpu.memory_space<hbm>>) target(%arg8 : memref<128x128xf32, #tpu.memory_space<vmem>>) offsets(%dma_start3A_617 : memref<128xi32, #tpu.memory_space<vmem>>) semaphore(%arg10 : memref<!tpu.dma_semaphore, #tpu.memory_space<semaphore_mem>>)
      %dma_wait3A_621 = arith.constant 1 : i32
      %dma_wait3A_622 = arith.constant 5 : i32
      %dma_wait3A_623 = arith.constant 0 : i32
      %dma_wait3A_624 = tpu.memref_slice %arg7[%dma_wait3A_621, %dma_wait3A_622, %dma_wait3A_623] : memref<2x8x128xi32, #tpu.memory_space<vmem>> -> memref<1x1x128xi32, #tpu.memory_space<vmem>>
      %dma_wait3A_625 = tpu.memref_squeeze %dma_wait3A_624 : memref<1x1x128xi32, #tpu.memory_space<vmem>> -> memref<128xi32, #tpu.memory_space<vmem>>
      %dma_wait3A_626 = arith.constant 0 : i32
      %dma_wait3A_627 = arith.constant 0 : i32
      %dma_wait3A_628 = tpu.memref_slice %arg2[%dma_wait3A_626, %dma_wait3A_627] : memref<17680x128xf32, #tpu.memory_space<hbm>> -> memref<17680x128xf32, #tpu.memory_space<hbm>>
      tpu.wait_indirect_dma semaphore(%arg11 : memref<!tpu.dma_semaphore, #tpu.memory_space<semaphore_mem>>) src(%dma_wait3A_628 : memref<17680x128xf32, #tpu.memory_space<hbm>>) dst(%arg9 : memref<128x128xf32, #tpu.memory_space<vmem>>)
      %run_scoped3A_629 = arith.constant 1 : i32
      %run_scoped3A_630 = arith.constant 5 : i32
      "tpu.region"() ({
        %run_scoped3A_659 = tpu.sem_alloc : memref<!tpu.dma_semaphore, #tpu.memory_space<semaphore_mem>>
        %dma_start3A_660 = arith.constant 0 : i32
        %dma_start3A_661 = tpu.memref_slice %arg6[%run_scoped3A_629, %run_scoped3A_630, %dma_start3A_660] : memref<2x8x128xi32, #tpu.memory_space<vmem>> -> memref<1x1x128xi32, #tpu.memory_space<vmem>>
        %dma_start3A_662 = tpu.memref_squeeze %dma_start3A_661 : memref<1x1x128xi32, #tpu.memory_space<vmem>> -> memref<128xi32, #tpu.memory_space<vmem>>
        %dma_start3A_663 = arith.constant 0 : i32
        %dma_start3A_664 = arith.constant 0 : i32
        %dma_start3A_665 = tpu.memref_slice %arg16[%dma_start3A_663, %dma_start3A_664] : memref<10112x128xf32, #tpu.memory_space<vmem_shared>> -> memref<10112x128xf32, #tpu.memory_space<vmem_shared>>
        tpu.enqueue_indirect_dma source(%arg9 : memref<128x128xf32, #tpu.memory_space<vmem>>) target(%dma_start3A_665 : memref<10112x128xf32, #tpu.memory_space<vmem_shared>>) offsets(%dma_start3A_662 : memref<128xi32, #tpu.memory_space<vmem>>) semaphore(%run_scoped3A_659 : memref<!tpu.dma_semaphore, #tpu.memory_space<semaphore_mem>>) {add = true}
        %dma_wait3A_666 = arith.constant 0 : i32
        %dma_wait3A_667 = tpu.memref_slice %arg6[%run_scoped3A_629, %run_scoped3A_630, %dma_wait3A_666] : memref<2x8x128xi32, #tpu.memory_space<vmem>> -> memref<1x1x128xi32, #tpu.memory_space<vmem>>
        %dma_wait3A_668 = tpu.memref_squeeze %dma_wait3A_667 : memref<1x1x128xi32, #tpu.memory_space<vmem>> -> memref<128xi32, #tpu.memory_space<vmem>>
        %dma_wait3A_669 = arith.constant 0 : i32
        %dma_wait3A_670 = arith.constant 0 : i32
        %dma_wait3A_671 = tpu.memref_slice %arg16[%dma_wait3A_669, %dma_wait3A_670] : memref<10112x128xf32, #tpu.memory_space<vmem_shared>> -> memref<10112x128xf32, #tpu.memory_space<vmem_shared>>
        tpu.wait_indirect_dma semaphore(%run_scoped3A_659 : memref<!tpu.dma_semaphore, #tpu.memory_space<semaphore_mem>>) src(%arg9 : memref<128x128xf32, #tpu.memory_space<vmem>>) dst(%dma_wait3A_671 : memref<10112x128xf32, #tpu.memory_space<vmem_shared>>)
        tpu.yield
      }) : () -> ()
      %dma_start3A_631 = arith.constant 1 : i32
      %dma_start3A_632 = arith.constant 7 : i32
      %dma_start3A_633 = arith.constant 0 : i32
      %dma_start3A_634 = tpu.memref_slice %arg7[%dma_start3A_631, %dma_start3A_632, %dma_start3A_633] : memref<2x8x128xi32, #tpu.memory_space<vmem>> -> memref<1x1x128xi32, #tpu.memory_space<vmem>>
      %dma_start3A_635 = tpu.memref_squeeze %dma_start3A_634 : memref<1x1x128xi32, #tpu.memory_space<vmem>> -> memref<128xi32, #tpu.memory_space<vmem>>
      %dma_start3A_636 = arith.constant 0 : i32
      %dma_start3A_637 = arith.constant 0 : i32
      %dma_start3A_638 = tpu.memref_slice %arg2[%dma_start3A_636, %dma_start3A_637] : memref<17680x128xf32, #tpu.memory_space<hbm>> -> memref<17680x128xf32, #tpu.memory_space<hbm>>
      tpu.enqueue_indirect_dma source(%dma_start3A_638 : memref<17680x128xf32, #tpu.memory_space<hbm>>) target(%arg9 : memref<128x128xf32, #tpu.memory_space<vmem>>) offsets(%dma_start3A_635 : memref<128xi32, #tpu.memory_space<vmem>>) semaphore(%arg11 : memref<!tpu.dma_semaphore, #tpu.memory_space<semaphore_mem>>)
      %dma_wait3A_639 = arith.constant 1 : i32
      %dma_wait3A_640 = arith.constant 6 : i32
      %dma_wait3A_641 = arith.constant 0 : i32
      %dma_wait3A_642 = tpu.memref_slice %arg7[%dma_wait3A_639, %dma_wait3A_640, %dma_wait3A_641] : memref<2x8x128xi32, #tpu.memory_space<vmem>> -> memref<1x1x128xi32, #tpu.memory_space<vmem>>
      %dma_wait3A_643 = tpu.memref_squeeze %dma_wait3A_642 : memref<1x1x128xi32, #tpu.memory_space<vmem>> -> memref<128xi32, #tpu.memory_space<vmem>>
      %dma_wait3A_644 = arith.constant 0 : i32
      %dma_wait3A_645 = arith.constant 0 : i32
      %dma_wait3A_646 = tpu.memref_slice %arg2[%dma_wait3A_644, %dma_wait3A_645] : memref<17680x128xf32, #tpu.memory_space<hbm>> -> memref<17680x128xf32, #tpu.memory_space<hbm>>
      tpu.wait_indirect_dma semaphore(%arg10 : memref<!tpu.dma_semaphore, #tpu.memory_space<semaphore_mem>>) src(%dma_wait3A_646 : memref<17680x128xf32, #tpu.memory_space<hbm>>) dst(%arg8 : memref<128x128xf32, #tpu.memory_space<vmem>>)
      %run_scoped3A_647 = arith.constant 1 : i32
      %run_scoped3A_648 = arith.constant 6 : i32
      "tpu.region"() ({
        %run_scoped3A_659 = tpu.sem_alloc : memref<!tpu.dma_semaphore, #tpu.memory_space<semaphore_mem>>
        %dma_start3A_660 = arith.constant 0 : i32
        %dma_start3A_661 = tpu.memref_slice %arg6[%run_scoped3A_647, %run_scoped3A_648, %dma_start3A_660] : memref<2x8x128xi32, #tpu.memory_space<vmem>> -> memref<1x1x128xi32, #tpu.memory_space<vmem>>
        %dma_start3A_662 = tpu.memref_squeeze %dma_start3A_661 : memref<1x1x128xi32, #tpu.memory_space<vmem>> -> memref<128xi32, #tpu.memory_space<vmem>>
        %dma_start3A_663 = arith.constant 0 : i32
        %dma_start3A_664 = arith.constant 0 : i32
        %dma_start3A_665 = tpu.memref_slice %arg16[%dma_start3A_663, %dma_start3A_664] : memref<10112x128xf32, #tpu.memory_space<vmem_shared>> -> memref<10112x128xf32, #tpu.memory_space<vmem_shared>>
        tpu.enqueue_indirect_dma source(%arg8 : memref<128x128xf32, #tpu.memory_space<vmem>>) target(%dma_start3A_665 : memref<10112x128xf32, #tpu.memory_space<vmem_shared>>) offsets(%dma_start3A_662 : memref<128xi32, #tpu.memory_space<vmem>>) semaphore(%run_scoped3A_659 : memref<!tpu.dma_semaphore, #tpu.memory_space<semaphore_mem>>) {add = true}
        %dma_wait3A_666 = arith.constant 0 : i32
        %dma_wait3A_667 = tpu.memref_slice %arg6[%run_scoped3A_647, %run_scoped3A_648, %dma_wait3A_666] : memref<2x8x128xi32, #tpu.memory_space<vmem>> -> memref<1x1x128xi32, #tpu.memory_space<vmem>>
        %dma_wait3A_668 = tpu.memref_squeeze %dma_wait3A_667 : memref<1x1x128xi32, #tpu.memory_space<vmem>> -> memref<128xi32, #tpu.memory_space<vmem>>
        %dma_wait3A_669 = arith.constant 0 : i32
        %dma_wait3A_670 = arith.constant 0 : i32
        %dma_wait3A_671 = tpu.memref_slice %arg16[%dma_wait3A_669, %dma_wait3A_670] : memref<10112x128xf32, #tpu.memory_space<vmem_shared>> -> memref<10112x128xf32, #tpu.memory_space<vmem_shared>>
        tpu.wait_indirect_dma semaphore(%run_scoped3A_659 : memref<!tpu.dma_semaphore, #tpu.memory_space<semaphore_mem>>) src(%arg8 : memref<128x128xf32, #tpu.memory_space<vmem>>) dst(%dma_wait3A_671 : memref<10112x128xf32, #tpu.memory_space<vmem_shared>>)
        tpu.yield
      }) : () -> ()
      %dma_wait3A_649 = arith.constant 1 : i32
      %dma_wait3A_650 = arith.constant 7 : i32
      %dma_wait3A_651 = arith.constant 0 : i32
      %dma_wait3A_652 = tpu.memref_slice %arg7[%dma_wait3A_649, %dma_wait3A_650, %dma_wait3A_651] : memref<2x8x128xi32, #tpu.memory_space<vmem>> -> memref<1x1x128xi32, #tpu.memory_space<vmem>>
      %dma_wait3A_653 = tpu.memref_squeeze %dma_wait3A_652 : memref<1x1x128xi32, #tpu.memory_space<vmem>> -> memref<128xi32, #tpu.memory_space<vmem>>
      %dma_wait3A_654 = arith.constant 0 : i32
      %dma_wait3A_655 = arith.constant 0 : i32
      %dma_wait3A_656 = tpu.memref_slice %arg2[%dma_wait3A_654, %dma_wait3A_655] : memref<17680x128xf32, #tpu.memory_space<hbm>> -> memref<17680x128xf32, #tpu.memory_space<hbm>>
      tpu.wait_indirect_dma semaphore(%arg11 : memref<!tpu.dma_semaphore, #tpu.memory_space<semaphore_mem>>) src(%dma_wait3A_656 : memref<17680x128xf32, #tpu.memory_space<hbm>>) dst(%arg9 : memref<128x128xf32, #tpu.memory_space<vmem>>)
      %run_scoped3A_657 = arith.constant 1 : i32
      %run_scoped3A_658 = arith.constant 7 : i32
      "tpu.region"() ({
        %run_scoped3A_659 = tpu.sem_alloc : memref<!tpu.dma_semaphore, #tpu.memory_space<semaphore_mem>>
        %dma_start3A_660 = arith.constant 0 : i32
        %dma_start3A_661 = tpu.memref_slice %arg6[%run_scoped3A_657, %run_scoped3A_658, %dma_start3A_660] : memref<2x8x128xi32, #tpu.memory_space<vmem>> -> memref<1x1x128xi32, #tpu.memory_space<vmem>>
        %dma_start3A_662 = tpu.memref_squeeze %dma_start3A_661 : memref<1x1x128xi32, #tpu.memory_space<vmem>> -> memref<128xi32, #tpu.memory_space<vmem>>
        %dma_start3A_663 = arith.constant 0 : i32
        %dma_start3A_664 = arith.constant 0 : i32
        %dma_start3A_665 = tpu.memref_slice %arg16[%dma_start3A_663, %dma_start3A_664] : memref<10112x128xf32, #tpu.memory_space<vmem_shared>> -> memref<10112x128xf32, #tpu.memory_space<vmem_shared>>
        tpu.enqueue_indirect_dma source(%arg9 : memref<128x128xf32, #tpu.memory_space<vmem>>) target(%dma_start3A_665 : memref<10112x128xf32, #tpu.memory_space<vmem_shared>>) offsets(%dma_start3A_662 : memref<128xi32, #tpu.memory_space<vmem>>) semaphore(%run_scoped3A_659 : memref<!tpu.dma_semaphore, #tpu.memory_space<semaphore_mem>>) {add = true}
        %dma_wait3A_666 = arith.constant 0 : i32
        %dma_wait3A_667 = tpu.memref_slice %arg6[%run_scoped3A_657, %run_scoped3A_658, %dma_wait3A_666] : memref<2x8x128xi32, #tpu.memory_space<vmem>> -> memref<1x1x128xi32, #tpu.memory_space<vmem>>
        %dma_wait3A_668 = tpu.memref_squeeze %dma_wait3A_667 : memref<1x1x128xi32, #tpu.memory_space<vmem>> -> memref<128xi32, #tpu.memory_space<vmem>>
        %dma_wait3A_669 = arith.constant 0 : i32
        %dma_wait3A_670 = arith.constant 0 : i32
        %dma_wait3A_671 = tpu.memref_slice %arg16[%dma_wait3A_669, %dma_wait3A_670] : memref<10112x128xf32, #tpu.memory_space<vmem_shared>> -> memref<10112x128xf32, #tpu.memory_space<vmem_shared>>
        tpu.wait_indirect_dma semaphore(%run_scoped3A_659 : memref<!tpu.dma_semaphore, #tpu.memory_space<semaphore_mem>>) src(%arg9 : memref<128x128xf32, #tpu.memory_space<vmem>>) dst(%dma_wait3A_671 : memref<10112x128xf32, #tpu.memory_space<vmem_shared>>)
        tpu.yield
      }) : () -> ()
    }
    %scan3A_56 = arith.constant 5 : i32
    %dma_wait3A = arith.constant 0 : i32
    %dma_wait3A_57 = arith.constant 0 : i32
    %dma_wait3A_58 = arith.constant 0 : i32
    %dma_wait3A_59 = tpu.memref_slice %arg6[%dma_wait3A, %dma_wait3A_57, %dma_wait3A_58] : memref<2x8x128xi32, #tpu.memory_space<vmem>> -> memref<1x8x128xi32, #tpu.memory_space<vmem>>
    %dma_wait3A_60 = tpu.memref_squeeze %dma_wait3A_59 : memref<1x8x128xi32, #tpu.memory_space<vmem>> -> memref<8x128xi32, #tpu.memory_space<vmem>>
    %dma_wait3A_61 = arith.constant 80 : i32
    %dma_wait3A_62 = arith.constant 0 : i32
    %dma_wait3A_63 = tpu.memref_slice %arg3[%add3A, %dma_wait3A_61, %dma_wait3A_62] : memref<32x88x128xi32, #tpu.memory_space<hbm>> -> memref<1x8x128xi32, #tpu.memory_space<hbm>>
    %dma_wait3A_64 = tpu.memref_squeeze %dma_wait3A_63 : memref<1x8x128xi32, #tpu.memory_space<hbm>> -> memref<8x128xi32, #tpu.memory_space<hbm>>
    %dma_wait3A_65 = arith.constant 0 : i32
    %dma_wait3A_66 = arith.constant 0 : i32
    %dma_wait3A_67 = tpu.memref_slice %arg6[%dma_wait3A, %dma_wait3A_65, %dma_wait3A_66] : memref<2x8x128xi32, #tpu.memory_space<vmem>> -> memref<1x8x128xi32, #tpu.memory_space<vmem>>
    %dma_wait3A_68 = tpu.memref_squeeze %dma_wait3A_67 : memref<1x8x128xi32, #tpu.memory_space<vmem>> -> memref<8x128xi32, #tpu.memory_space<vmem>>
    %dma_wait3A_69 = arith.constant 80 : i32
    %dma_wait3A_70 = arith.constant 0 : i32
    %dma_wait3A_71 = tpu.memref_slice %arg3[%add3A, %dma_wait3A_69, %dma_wait3A_70] : memref<32x88x128xi32, #tpu.memory_space<hbm>> -> memref<1x8x128xi32, #tpu.memory_space<hbm>>
    %dma_wait3A_72 = tpu.memref_squeeze %dma_wait3A_71 : memref<1x8x128xi32, #tpu.memory_space<hbm>> -> memref<8x128xi32, #tpu.memory_space<hbm>>
    tpu.wait_dma2 semaphore(%arg12 : memref<!tpu.dma_semaphore, #tpu.memory_space<semaphore_mem>>) src(%dma_wait3A_72 : memref<8x128xi32, #tpu.memory_space<hbm>>) dst(%dma_wait3A_68 : memref<8x128xi32, #tpu.memory_space<vmem>>)
    %dma_wait3A_73 = arith.constant 0 : i32
    %dma_wait3A_74 = arith.constant 0 : i32
    %dma_wait3A_75 = arith.constant 0 : i32
    %dma_wait3A_76 = tpu.memref_slice %arg7[%dma_wait3A_73, %dma_wait3A_74, %dma_wait3A_75] : memref<2x8x128xi32, #tpu.memory_space<vmem>> -> memref<1x8x128xi32, #tpu.memory_space<vmem>>
    %dma_wait3A_77 = tpu.memref_squeeze %dma_wait3A_76 : memref<1x8x128xi32, #tpu.memory_space<vmem>> -> memref<8x128xi32, #tpu.memory_space<vmem>>
    %dma_wait3A_78 = arith.constant 80 : i32
    %dma_wait3A_79 = arith.constant 0 : i32
    %dma_wait3A_80 = tpu.memref_slice %arg4[%add3A, %dma_wait3A_78, %dma_wait3A_79] : memref<32x88x128xi32, #tpu.memory_space<hbm>> -> memref<1x8x128xi32, #tpu.memory_space<hbm>>
    %dma_wait3A_81 = tpu.memref_squeeze %dma_wait3A_80 : memref<1x8x128xi32, #tpu.memory_space<hbm>> -> memref<8x128xi32, #tpu.memory_space<hbm>>
    %dma_wait3A_82 = arith.constant 0 : i32
    %dma_wait3A_83 = arith.constant 0 : i32
    %dma_wait3A_84 = tpu.memref_slice %arg7[%dma_wait3A_73, %dma_wait3A_82, %dma_wait3A_83] : memref<2x8x128xi32, #tpu.memory_space<vmem>> -> memref<1x8x128xi32, #tpu.memory_space<vmem>>
    %dma_wait3A_85 = tpu.memref_squeeze %dma_wait3A_84 : memref<1x8x128xi32, #tpu.memory_space<vmem>> -> memref<8x128xi32, #tpu.memory_space<vmem>>
    %dma_wait3A_86 = arith.constant 80 : i32
    %dma_wait3A_87 = arith.constant 0 : i32
    %dma_wait3A_88 = tpu.memref_slice %arg4[%add3A, %dma_wait3A_86, %dma_wait3A_87] : memref<32x88x128xi32, #tpu.memory_space<hbm>> -> memref<1x8x128xi32, #tpu.memory_space<hbm>>
    %dma_wait3A_89 = tpu.memref_squeeze %dma_wait3A_88 : memref<1x8x128xi32, #tpu.memory_space<hbm>> -> memref<8x128xi32, #tpu.memory_space<hbm>>
    tpu.wait_dma2 semaphore(%arg14 : memref<!tpu.dma_semaphore, #tpu.memory_space<semaphore_mem>>) src(%dma_wait3A_89 : memref<8x128xi32, #tpu.memory_space<hbm>>) dst(%dma_wait3A_85 : memref<8x128xi32, #tpu.memory_space<vmem>>)
    %barrier3A_90 = arith.constant 0 : index
    tpu.barrier barrier_id(%barrier3A_90)
    %mul3A_91 = arith.constant 632 : i32
    %mul3A_92 = arith.muli %arg1, %mul3A_91 : i32
    "tpu.region"() ({
      %run_scoped3A = tpu.sem_alloc : memref<!tpu.dma_semaphore, #tpu.memory_space<semaphore_mem>>
      %dma_start3A_223 = arith.constant 0 : i32
      %dma_start3A_224 = arith.constant 0 : i32
      %dma_start3A_225 = tpu.memref_slice %arg8[%dma_start3A_223, %dma_start3A_224] : memref<128x128xf32, #tpu.memory_space<vmem>> -> memref<128x128xf32, #tpu.memory_space<vmem>>
      %dma_start3A_226 = arith.constant 0 : i32
      %dma_start3A_227 = tpu.memref_slice %arg16[%mul3A_92, %dma_start3A_226] : memref<10112x128xf32, #tpu.memory_space<vmem_shared>> -> memref<128x128xf32, #tpu.memory_space<vmem_shared>>
      %dma_start3A_228 = arith.constant 0 : i32
      %dma_start3A_229 = arith.constant 0 : i32
      %dma_start3A_230 = tpu.memref_slice %arg8[%dma_start3A_228, %dma_start3A_229] : memref<128x128xf32, #tpu.memory_space<vmem>> -> memref<128x128xf32, #tpu.memory_space<vmem>>
      %dma_start3A_231 = arith.constant 0 : i32
      %dma_start3A_232 = tpu.memref_slice %arg16[%mul3A_92, %dma_start3A_231] : memref<10112x128xf32, #tpu.memory_space<vmem_shared>> -> memref<128x128xf32, #tpu.memory_space<vmem_shared>>
      tpu.enqueue_dma source(%dma_start3A_232 : memref<128x128xf32, #tpu.memory_space<vmem_shared>>) target(%dma_start3A_230 : memref<128x128xf32, #tpu.memory_space<vmem>>) target_semaphore(%run_scoped3A : memref<!tpu.dma_semaphore, #tpu.memory_space<semaphore_mem>>)
      %dma_wait3A_233 = arith.constant 0 : i32
      %dma_wait3A_234 = arith.constant 0 : i32
      %dma_wait3A_235 = tpu.memref_slice %arg8[%dma_wait3A_233, %dma_wait3A_234] : memref<128x128xf32, #tpu.memory_space<vmem>> -> memref<128x128xf32, #tpu.memory_space<vmem>>
      %dma_wait3A_236 = arith.constant 0 : i32
      %dma_wait3A_237 = tpu.memref_slice %arg16[%mul3A_92, %dma_wait3A_236] : memref<10112x128xf32, #tpu.memory_space<vmem_shared>> -> memref<128x128xf32, #tpu.memory_space<vmem_shared>>
      %dma_wait3A_238 = arith.constant 0 : i32
      %dma_wait3A_239 = arith.constant 0 : i32
      %dma_wait3A_240 = tpu.memref_slice %arg8[%dma_wait3A_238, %dma_wait3A_239] : memref<128x128xf32, #tpu.memory_space<vmem>> -> memref<128x128xf32, #tpu.memory_space<vmem>>
      %dma_wait3A_241 = arith.constant 0 : i32
      %dma_wait3A_242 = tpu.memref_slice %arg16[%mul3A_92, %dma_wait3A_241] : memref<10112x128xf32, #tpu.memory_space<vmem_shared>> -> memref<128x128xf32, #tpu.memory_space<vmem_shared>>
      tpu.wait_dma2 semaphore(%run_scoped3A : memref<!tpu.dma_semaphore, #tpu.memory_space<semaphore_mem>>) src(%dma_wait3A_242 : memref<128x128xf32, #tpu.memory_space<vmem_shared>>) dst(%dma_wait3A_240 : memref<128x128xf32, #tpu.memory_space<vmem>>)
      tpu.yield
    }) : () -> ()
    %dma_start3A_93 = arith.constant 0 : i32
    %dma_start3A_94 = arith.constant 0 : i32
    %dma_start3A_95 = tpu.memref_slice %arg8[%dma_start3A_93, %dma_start3A_94] : memref<128x128xf32, #tpu.memory_space<vmem>> -> memref<128x128xf32, #tpu.memory_space<vmem>>
    %dma_start3A_96 = arith.constant 0 : i32
    %dma_start3A_97 = tpu.memref_slice %arg5[%arg0, %mul3A_92, %dma_start3A_96] : memref<2x10112x128xf32, #tpu.memory_space<hbm>> -> memref<1x128x128xf32, #tpu.memory_space<hbm>>
    %dma_start3A_98 = tpu.memref_squeeze %dma_start3A_97 : memref<1x128x128xf32, #tpu.memory_space<hbm>> -> memref<128x128xf32, #tpu.memory_space<hbm>>
    %dma_start3A_99 = arith.constant 0 : i32
    %dma_start3A_100 = tpu.memref_slice %arg5[%arg0, %mul3A_92, %dma_start3A_99] : memref<2x10112x128xf32, #tpu.memory_space<hbm>> -> memref<1x128x128xf32, #tpu.memory_space<hbm>>
    %dma_start3A_101 = tpu.memref_squeeze %dma_start3A_100 : memref<1x128x128xf32, #tpu.memory_space<hbm>> -> memref<128x128xf32, #tpu.memory_space<hbm>>
    %dma_start3A_102 = arith.constant 0 : i32
    %dma_start3A_103 = arith.constant 0 : i32
    %dma_start3A_104 = tpu.memref_slice %arg8[%dma_start3A_102, %dma_start3A_103] : memref<128x128xf32, #tpu.memory_space<vmem>> -> memref<128x128xf32, #tpu.memory_space<vmem>>
    tpu.enqueue_dma source(%dma_start3A_104 : memref<128x128xf32, #tpu.memory_space<vmem>>) target(%dma_start3A_101 : memref<128x128xf32, #tpu.memory_space<hbm>>) target_semaphore(%arg10 : memref<!tpu.dma_semaphore, #tpu.memory_space<semaphore_mem>>)
    %add3A_105 = arith.constant 128 : i32
    %add3A_106 = arith.addi %mul3A_92, %add3A_105 : i32
    "tpu.region"() ({
      %run_scoped3A = tpu.sem_alloc : memref<!tpu.dma_semaphore, #tpu.memory_space<semaphore_mem>>
      %dma_start3A_223 = arith.constant 0 : i32
      %dma_start3A_224 = arith.constant 0 : i32
      %dma_start3A_225 = tpu.memref_slice %arg9[%dma_start3A_223, %dma_start3A_224] : memref<128x128xf32, #tpu.memory_space<vmem>> -> memref<128x128xf32, #tpu.memory_space<vmem>>
      %dma_start3A_226 = arith.constant 0 : i32
      %dma_start3A_227 = tpu.memref_slice %arg16[%add3A_106, %dma_start3A_226] : memref<10112x128xf32, #tpu.memory_space<vmem_shared>> -> memref<128x128xf32, #tpu.memory_space<vmem_shared>>
      %dma_start3A_228 = arith.constant 0 : i32
      %dma_start3A_229 = arith.constant 0 : i32
      %dma_start3A_230 = tpu.memref_slice %arg9[%dma_start3A_228, %dma_start3A_229] : memref<128x128xf32, #tpu.memory_space<vmem>> -> memref<128x128xf32, #tpu.memory_space<vmem>>
      %dma_start3A_231 = arith.constant 0 : i32
      %dma_start3A_232 = tpu.memref_slice %arg16[%add3A_106, %dma_start3A_231] : memref<10112x128xf32, #tpu.memory_space<vmem_shared>> -> memref<128x128xf32, #tpu.memory_space<vmem_shared>>
      tpu.enqueue_dma source(%dma_start3A_232 : memref<128x128xf32, #tpu.memory_space<vmem_shared>>) target(%dma_start3A_230 : memref<128x128xf32, #tpu.memory_space<vmem>>) target_semaphore(%run_scoped3A : memref<!tpu.dma_semaphore, #tpu.memory_space<semaphore_mem>>)
      %dma_wait3A_233 = arith.constant 0 : i32
      %dma_wait3A_234 = arith.constant 0 : i32
      %dma_wait3A_235 = tpu.memref_slice %arg9[%dma_wait3A_233, %dma_wait3A_234] : memref<128x128xf32, #tpu.memory_space<vmem>> -> memref<128x128xf32, #tpu.memory_space<vmem>>
      %dma_wait3A_236 = arith.constant 0 : i32
      %dma_wait3A_237 = tpu.memref_slice %arg16[%add3A_106, %dma_wait3A_236] : memref<10112x128xf32, #tpu.memory_space<vmem_shared>> -> memref<128x128xf32, #tpu.memory_space<vmem_shared>>
      %dma_wait3A_238 = arith.constant 0 : i32
      %dma_wait3A_239 = arith.constant 0 : i32
      %dma_wait3A_240 = tpu.memref_slice %arg9[%dma_wait3A_238, %dma_wait3A_239] : memref<128x128xf32, #tpu.memory_space<vmem>> -> memref<128x128xf32, #tpu.memory_space<vmem>>
      %dma_wait3A_241 = arith.constant 0 : i32
      %dma_wait3A_242 = tpu.memref_slice %arg16[%add3A_106, %dma_wait3A_241] : memref<10112x128xf32, #tpu.memory_space<vmem_shared>> -> memref<128x128xf32, #tpu.memory_space<vmem_shared>>
      tpu.wait_dma2 semaphore(%run_scoped3A : memref<!tpu.dma_semaphore, #tpu.memory_space<semaphore_mem>>) src(%dma_wait3A_242 : memref<128x128xf32, #tpu.memory_space<vmem_shared>>) dst(%dma_wait3A_240 : memref<128x128xf32, #tpu.memory_space<vmem>>)
      tpu.yield
    }) : () -> ()
    %dma_start3A_107 = arith.constant 0 : i32
    %dma_start3A_108 = arith.constant 0 : i32
    %dma_start3A_109 = tpu.memref_slice %arg9[%dma_start3A_107, %dma_start3A_108] : memref<128x128xf32, #tpu.memory_space<vmem>> -> memref<128x128xf32, #tpu.memory_space<vmem>>
    %dma_start3A_110 = arith.constant 0 : i32
    %dma_start3A_111 = tpu.memref_slice %arg5[%arg0, %add3A_106, %dma_start3A_110] : memref<2x10112x128xf32, #tpu.memory_space<hbm>> -> memref<1x128x128xf32, #tpu.memory_space<hbm>>
    %dma_start3A_112 = tpu.memref_squeeze %dma_start3A_111 : memref<1x128x128xf32, #tpu.memory_space<hbm>> -> memref<128x128xf32, #tpu.memory_space<hbm>>
    %dma_start3A_113 = arith.constant 0 : i32
    %dma_start3A_114 = tpu.memref_slice %arg5[%arg0, %add3A_106, %dma_start3A_113] : memref<2x10112x128xf32, #tpu.memory_space<hbm>> -> memref<1x128x128xf32, #tpu.memory_space<hbm>>
    %dma_start3A_115 = tpu.memref_squeeze %dma_start3A_114 : memref<1x128x128xf32, #tpu.memory_space<hbm>> -> memref<128x128xf32, #tpu.memory_space<hbm>>
    %dma_start3A_116 = arith.constant 0 : i32
    %dma_start3A_117 = arith.constant 0 : i32
    %dma_start3A_118 = tpu.memref_slice %arg9[%dma_start3A_116, %dma_start3A_117] : memref<128x128xf32, #tpu.memory_space<vmem>> -> memref<128x128xf32, #tpu.memory_space<vmem>>
    tpu.enqueue_dma source(%dma_start3A_118 : memref<128x128xf32, #tpu.memory_space<vmem>>) target(%dma_start3A_115 : memref<128x128xf32, #tpu.memory_space<hbm>>) target_semaphore(%arg11 : memref<!tpu.dma_semaphore, #tpu.memory_space<semaphore_mem>>)
    %add3A_119 = arith.constant 128 : i32
    %add3A_120 = arith.addi %add3A_106, %add3A_119 : i32
    %dma_wait3A_121 = arith.constant 0 : i32
    %dma_wait3A_122 = arith.constant 0 : i32
    %dma_wait3A_123 = tpu.memref_slice %arg8[%dma_wait3A_121, %dma_wait3A_122] : memref<128x128xf32, #tpu.memory_space<vmem>> -> memref<128x128xf32, #tpu.memory_space<vmem>>
    %dma_wait3A_124 = arith.constant 0 : i32
    %dma_wait3A_125 = tpu.memref_slice %arg5[%arg0, %mul3A_92, %dma_wait3A_124] : memref<2x10112x128xf32, #tpu.memory_space<hbm>> -> memref<1x128x128xf32, #tpu.memory_space<hbm>>
    %dma_wait3A_126 = tpu.memref_squeeze %dma_wait3A_125 : memref<1x128x128xf32, #tpu.memory_space<hbm>> -> memref<128x128xf32, #tpu.memory_space<hbm>>
    %dma_wait3A_127 = arith.constant 0 : i32
    %dma_wait3A_128 = tpu.memref_slice %arg5[%arg0, %mul3A_92, %dma_wait3A_127] : memref<2x10112x128xf32, #tpu.memory_space<hbm>> -> memref<1x128x128xf32, #tpu.memory_space<hbm>>
    %dma_wait3A_129 = tpu.memref_squeeze %dma_wait3A_128 : memref<1x128x128xf32, #tpu.memory_space<hbm>> -> memref<128x128xf32, #tpu.memory_space<hbm>>
    %dma_wait3A_130 = arith.constant 0 : i32
    %dma_wait3A_131 = arith.constant 0 : i32
    %dma_wait3A_132 = tpu.memref_slice %arg8[%dma_wait3A_130, %dma_wait3A_131] : memref<128x128xf32, #tpu.memory_space<vmem>> -> memref<128x128xf32, #tpu.memory_space<vmem>>
    tpu.wait_dma2 semaphore(%arg10 : memref<!tpu.dma_semaphore, #tpu.memory_space<semaphore_mem>>) src(%dma_wait3A_132 : memref<128x128xf32, #tpu.memory_space<vmem>>) dst(%dma_wait3A_129 : memref<128x128xf32, #tpu.memory_space<hbm>>)
    "tpu.region"() ({
      %run_scoped3A = tpu.sem_alloc : memref<!tpu.dma_semaphore, #tpu.memory_space<semaphore_mem>>
      %dma_start3A_223 = arith.constant 0 : i32
      %dma_start3A_224 = arith.constant 0 : i32
      %dma_start3A_225 = tpu.memref_slice %arg8[%dma_start3A_223, %dma_start3A_224] : memref<128x128xf32, #tpu.memory_space<vmem>> -> memref<128x128xf32, #tpu.memory_space<vmem>>
      %dma_start3A_226 = arith.constant 0 : i32
      %dma_start3A_227 = tpu.memref_slice %arg16[%add3A_120, %dma_start3A_226] : memref<10112x128xf32, #tpu.memory_space<vmem_shared>> -> memref<128x128xf32, #tpu.memory_space<vmem_shared>>
      %dma_start3A_228 = arith.constant 0 : i32
      %dma_start3A_229 = arith.constant 0 : i32
      %dma_start3A_230 = tpu.memref_slice %arg8[%dma_start3A_228, %dma_start3A_229] : memref<128x128xf32, #tpu.memory_space<vmem>> -> memref<128x128xf32, #tpu.memory_space<vmem>>
      %dma_start3A_231 = arith.constant 0 : i32
      %dma_start3A_232 = tpu.memref_slice %arg16[%add3A_120, %dma_start3A_231] : memref<10112x128xf32, #tpu.memory_space<vmem_shared>> -> memref<128x128xf32, #tpu.memory_space<vmem_shared>>
      tpu.enqueue_dma source(%dma_start3A_232 : memref<128x128xf32, #tpu.memory_space<vmem_shared>>) target(%dma_start3A_230 : memref<128x128xf32, #tpu.memory_space<vmem>>) target_semaphore(%run_scoped3A : memref<!tpu.dma_semaphore, #tpu.memory_space<semaphore_mem>>)
      %dma_wait3A_233 = arith.constant 0 : i32
      %dma_wait3A_234 = arith.constant 0 : i32
      %dma_wait3A_235 = tpu.memref_slice %arg8[%dma_wait3A_233, %dma_wait3A_234] : memref<128x128xf32, #tpu.memory_space<vmem>> -> memref<128x128xf32, #tpu.memory_space<vmem>>
      %dma_wait3A_236 = arith.constant 0 : i32
      %dma_wait3A_237 = tpu.memref_slice %arg16[%add3A_120, %dma_wait3A_236] : memref<10112x128xf32, #tpu.memory_space<vmem_shared>> -> memref<128x128xf32, #tpu.memory_space<vmem_shared>>
      %dma_wait3A_238 = arith.constant 0 : i32
      %dma_wait3A_239 = arith.constant 0 : i32
      %dma_wait3A_240 = tpu.memref_slice %arg8[%dma_wait3A_238, %dma_wait3A_239] : memref<128x128xf32, #tpu.memory_space<vmem>> -> memref<128x128xf32, #tpu.memory_space<vmem>>
      %dma_wait3A_241 = arith.constant 0 : i32
      %dma_wait3A_242 = tpu.memref_slice %arg16[%add3A_120, %dma_wait3A_241] : memref<10112x128xf32, #tpu.memory_space<vmem_shared>> -> memref<128x128xf32, #tpu.memory_space<vmem_shared>>
      tpu.wait_dma2 semaphore(%run_scoped3A : memref<!tpu.dma_semaphore, #tpu.memory_space<semaphore_mem>>) src(%dma_wait3A_242 : memref<128x128xf32, #tpu.memory_space<vmem_shared>>) dst(%dma_wait3A_240 : memref<128x128xf32, #tpu.memory_space<vmem>>)
      tpu.yield
    }) : () -> ()
    %dma_start3A_133 = arith.constant 0 : i32
    %dma_start3A_134 = arith.constant 0 : i32
    %dma_start3A_135 = tpu.memref_slice %arg8[%dma_start3A_133, %dma_start3A_134] : memref<128x128xf32, #tpu.memory_space<vmem>> -> memref<128x128xf32, #tpu.memory_space<vmem>>
    %dma_start3A_136 = arith.constant 0 : i32
    %dma_start3A_137 = tpu.memref_slice %arg5[%arg0, %add3A_120, %dma_start3A_136] : memref<2x10112x128xf32, #tpu.memory_space<hbm>> -> memref<1x128x128xf32, #tpu.memory_space<hbm>>
    %dma_start3A_138 = tpu.memref_squeeze %dma_start3A_137 : memref<1x128x128xf32, #tpu.memory_space<hbm>> -> memref<128x128xf32, #tpu.memory_space<hbm>>
    %dma_start3A_139 = arith.constant 0 : i32
    %dma_start3A_140 = tpu.memref_slice %arg5[%arg0, %add3A_120, %dma_start3A_139] : memref<2x10112x128xf32, #tpu.memory_space<hbm>> -> memref<1x128x128xf32, #tpu.memory_space<hbm>>
    %dma_start3A_141 = tpu.memref_squeeze %dma_start3A_140 : memref<1x128x128xf32, #tpu.memory_space<hbm>> -> memref<128x128xf32, #tpu.memory_space<hbm>>
    %dma_start3A_142 = arith.constant 0 : i32
    %dma_start3A_143 = arith.constant 0 : i32
    %dma_start3A_144 = tpu.memref_slice %arg8[%dma_start3A_142, %dma_start3A_143] : memref<128x128xf32, #tpu.memory_space<vmem>> -> memref<128x128xf32, #tpu.memory_space<vmem>>
    tpu.enqueue_dma source(%dma_start3A_144 : memref<128x128xf32, #tpu.memory_space<vmem>>) target(%dma_start3A_141 : memref<128x128xf32, #tpu.memory_space<hbm>>) target_semaphore(%arg10 : memref<!tpu.dma_semaphore, #tpu.memory_space<semaphore_mem>>)
    %add3A_145 = arith.constant 128 : i32
    %add3A_146 = arith.addi %add3A_120, %add3A_145 : i32
    %dma_wait3A_147 = arith.constant 0 : i32
    %dma_wait3A_148 = arith.constant 0 : i32
    %dma_wait3A_149 = tpu.memref_slice %arg9[%dma_wait3A_147, %dma_wait3A_148] : memref<128x128xf32, #tpu.memory_space<vmem>> -> memref<128x128xf32, #tpu.memory_space<vmem>>
    %dma_wait3A_150 = arith.constant 0 : i32
    %dma_wait3A_151 = tpu.memref_slice %arg5[%arg0, %add3A_106, %dma_wait3A_150] : memref<2x10112x128xf32, #tpu.memory_space<hbm>> -> memref<1x128x128xf32, #tpu.memory_space<hbm>>
    %dma_wait3A_152 = tpu.memref_squeeze %dma_wait3A_151 : memref<1x128x128xf32, #tpu.memory_space<hbm>> -> memref<128x128xf32, #tpu.memory_space<hbm>>
    %dma_wait3A_153 = arith.constant 0 : i32
    %dma_wait3A_154 = tpu.memref_slice %arg5[%arg0, %add3A_106, %dma_wait3A_153] : memref<2x10112x128xf32, #tpu.memory_space<hbm>> -> memref<1x128x128xf32, #tpu.memory_space<hbm>>
    %dma_wait3A_155 = tpu.memref_squeeze %dma_wait3A_154 : memref<1x128x128xf32, #tpu.memory_space<hbm>> -> memref<128x128xf32, #tpu.memory_space<hbm>>
    %dma_wait3A_156 = arith.constant 0 : i32
    %dma_wait3A_157 = arith.constant 0 : i32
    %dma_wait3A_158 = tpu.memref_slice %arg9[%dma_wait3A_156, %dma_wait3A_157] : memref<128x128xf32, #tpu.memory_space<vmem>> -> memref<128x128xf32, #tpu.memory_space<vmem>>
    tpu.wait_dma2 semaphore(%arg11 : memref<!tpu.dma_semaphore, #tpu.memory_space<semaphore_mem>>) src(%dma_wait3A_158 : memref<128x128xf32, #tpu.memory_space<vmem>>) dst(%dma_wait3A_155 : memref<128x128xf32, #tpu.memory_space<hbm>>)
    "tpu.region"() ({
      %run_scoped3A = tpu.sem_alloc : memref<!tpu.dma_semaphore, #tpu.memory_space<semaphore_mem>>
      %dma_start3A_223 = arith.constant 0 : i32
      %dma_start3A_224 = arith.constant 0 : i32
      %dma_start3A_225 = tpu.memref_slice %arg9[%dma_start3A_223, %dma_start3A_224] : memref<128x128xf32, #tpu.memory_space<vmem>> -> memref<128x128xf32, #tpu.memory_space<vmem>>
      %dma_start3A_226 = arith.constant 0 : i32
      %dma_start3A_227 = tpu.memref_slice %arg16[%add3A_146, %dma_start3A_226] : memref<10112x128xf32, #tpu.memory_space<vmem_shared>> -> memref<128x128xf32, #tpu.memory_space<vmem_shared>>
      %dma_start3A_228 = arith.constant 0 : i32
      %dma_start3A_229 = arith.constant 0 : i32
      %dma_start3A_230 = tpu.memref_slice %arg9[%dma_start3A_228, %dma_start3A_229] : memref<128x128xf32, #tpu.memory_space<vmem>> -> memref<128x128xf32, #tpu.memory_space<vmem>>
      %dma_start3A_231 = arith.constant 0 : i32
      %dma_start3A_232 = tpu.memref_slice %arg16[%add3A_146, %dma_start3A_231] : memref<10112x128xf32, #tpu.memory_space<vmem_shared>> -> memref<128x128xf32, #tpu.memory_space<vmem_shared>>
      tpu.enqueue_dma source(%dma_start3A_232 : memref<128x128xf32, #tpu.memory_space<vmem_shared>>) target(%dma_start3A_230 : memref<128x128xf32, #tpu.memory_space<vmem>>) target_semaphore(%run_scoped3A : memref<!tpu.dma_semaphore, #tpu.memory_space<semaphore_mem>>)
      %dma_wait3A_233 = arith.constant 0 : i32
      %dma_wait3A_234 = arith.constant 0 : i32
      %dma_wait3A_235 = tpu.memref_slice %arg9[%dma_wait3A_233, %dma_wait3A_234] : memref<128x128xf32, #tpu.memory_space<vmem>> -> memref<128x128xf32, #tpu.memory_space<vmem>>
      %dma_wait3A_236 = arith.constant 0 : i32
      %dma_wait3A_237 = tpu.memref_slice %arg16[%add3A_146, %dma_wait3A_236] : memref<10112x128xf32, #tpu.memory_space<vmem_shared>> -> memref<128x128xf32, #tpu.memory_space<vmem_shared>>
      %dma_wait3A_238 = arith.constant 0 : i32
      %dma_wait3A_239 = arith.constant 0 : i32
      %dma_wait3A_240 = tpu.memref_slice %arg9[%dma_wait3A_238, %dma_wait3A_239] : memref<128x128xf32, #tpu.memory_space<vmem>> -> memref<128x128xf32, #tpu.memory_space<vmem>>
      %dma_wait3A_241 = arith.constant 0 : i32
      %dma_wait3A_242 = tpu.memref_slice %arg16[%add3A_146, %dma_wait3A_241] : memref<10112x128xf32, #tpu.memory_space<vmem_shared>> -> memref<128x128xf32, #tpu.memory_space<vmem_shared>>
      tpu.wait_dma2 semaphore(%run_scoped3A : memref<!tpu.dma_semaphore, #tpu.memory_space<semaphore_mem>>) src(%dma_wait3A_242 : memref<128x128xf32, #tpu.memory_space<vmem_shared>>) dst(%dma_wait3A_240 : memref<128x128xf32, #tpu.memory_space<vmem>>)
      tpu.yield
    }) : () -> ()
    %dma_start3A_159 = arith.constant 0 : i32
    %dma_start3A_160 = arith.constant 0 : i32
    %dma_start3A_161 = tpu.memref_slice %arg9[%dma_start3A_159, %dma_start3A_160] : memref<128x128xf32, #tpu.memory_space<vmem>> -> memref<128x128xf32, #tpu.memory_space<vmem>>
    %dma_start3A_162 = arith.constant 0 : i32
    %dma_start3A_163 = tpu.memref_slice %arg5[%arg0, %add3A_146, %dma_start3A_162] : memref<2x10112x128xf32, #tpu.memory_space<hbm>> -> memref<1x128x128xf32, #tpu.memory_space<hbm>>
    %dma_start3A_164 = tpu.memref_squeeze %dma_start3A_163 : memref<1x128x128xf32, #tpu.memory_space<hbm>> -> memref<128x128xf32, #tpu.memory_space<hbm>>
    %dma_start3A_165 = arith.constant 0 : i32
    %dma_start3A_166 = tpu.memref_slice %arg5[%arg0, %add3A_146, %dma_start3A_165] : memref<2x10112x128xf32, #tpu.memory_space<hbm>> -> memref<1x128x128xf32, #tpu.memory_space<hbm>>
    %dma_start3A_167 = tpu.memref_squeeze %dma_start3A_166 : memref<1x128x128xf32, #tpu.memory_space<hbm>> -> memref<128x128xf32, #tpu.memory_space<hbm>>
    %dma_start3A_168 = arith.constant 0 : i32
    %dma_start3A_169 = arith.constant 0 : i32
    %dma_start3A_170 = tpu.memref_slice %arg9[%dma_start3A_168, %dma_start3A_169] : memref<128x128xf32, #tpu.memory_space<vmem>> -> memref<128x128xf32, #tpu.memory_space<vmem>>
    tpu.enqueue_dma source(%dma_start3A_170 : memref<128x128xf32, #tpu.memory_space<vmem>>) target(%dma_start3A_167 : memref<128x128xf32, #tpu.memory_space<hbm>>) target_semaphore(%arg11 : memref<!tpu.dma_semaphore, #tpu.memory_space<semaphore_mem>>)
    %add3A_171 = arith.constant 128 : i32
    %add3A_172 = arith.addi %add3A_146, %add3A_171 : i32
    %dma_wait3A_173 = arith.constant 0 : i32
    %dma_wait3A_174 = arith.constant 0 : i32
    %dma_wait3A_175 = tpu.memref_slice %arg8[%dma_wait3A_173, %dma_wait3A_174] : memref<128x128xf32, #tpu.memory_space<vmem>> -> memref<128x128xf32, #tpu.memory_space<vmem>>
    %dma_wait3A_176 = arith.constant 0 : i32
    %dma_wait3A_177 = tpu.memref_slice %arg5[%arg0, %add3A_120, %dma_wait3A_176] : memref<2x10112x128xf32, #tpu.memory_space<hbm>> -> memref<1x128x128xf32, #tpu.memory_space<hbm>>
    %dma_wait3A_178 = tpu.memref_squeeze %dma_wait3A_177 : memref<1x128x128xf32, #tpu.memory_space<hbm>> -> memref<128x128xf32, #tpu.memory_space<hbm>>
    %dma_wait3A_179 = arith.constant 0 : i32
    %dma_wait3A_180 = tpu.memref_slice %arg5[%arg0, %add3A_120, %dma_wait3A_179] : memref<2x10112x128xf32, #tpu.memory_space<hbm>> -> memref<1x128x128xf32, #tpu.memory_space<hbm>>
    %dma_wait3A_181 = tpu.memref_squeeze %dma_wait3A_180 : memref<1x128x128xf32, #tpu.memory_space<hbm>> -> memref<128x128xf32, #tpu.memory_space<hbm>>
    %dma_wait3A_182 = arith.constant 0 : i32
    %dma_wait3A_183 = arith.constant 0 : i32
    %dma_wait3A_184 = tpu.memref_slice %arg8[%dma_wait3A_182, %dma_wait3A_183] : memref<128x128xf32, #tpu.memory_space<vmem>> -> memref<128x128xf32, #tpu.memory_space<vmem>>
    tpu.wait_dma2 semaphore(%arg10 : memref<!tpu.dma_semaphore, #tpu.memory_space<semaphore_mem>>) src(%dma_wait3A_184 : memref<128x128xf32, #tpu.memory_space<vmem>>) dst(%dma_wait3A_181 : memref<128x128xf32, #tpu.memory_space<hbm>>)
    "tpu.region"() ({
      %run_scoped3A = tpu.sem_alloc : memref<!tpu.dma_semaphore, #tpu.memory_space<semaphore_mem>>
      %dma_start3A_223 = arith.constant 0 : i32
      %dma_start3A_224 = arith.constant 0 : i32
      %dma_start3A_225 = tpu.memref_slice %arg8[%dma_start3A_223, %dma_start3A_224] : memref<128x128xf32, #tpu.memory_space<vmem>> -> memref<120x128xf32, #tpu.memory_space<vmem>>
      %dma_start3A_226 = arith.constant 0 : i32
      %dma_start3A_227 = tpu.memref_slice %arg16[%add3A_172, %dma_start3A_226] : memref<10112x128xf32, #tpu.memory_space<vmem_shared>> -> memref<120x128xf32, #tpu.memory_space<vmem_shared>>
      %dma_start3A_228 = arith.constant 0 : i32
      %dma_start3A_229 = arith.constant 0 : i32
      %dma_start3A_230 = tpu.memref_slice %arg8[%dma_start3A_228, %dma_start3A_229] : memref<128x128xf32, #tpu.memory_space<vmem>> -> memref<120x128xf32, #tpu.memory_space<vmem>>
      %dma_start3A_231 = arith.constant 0 : i32
      %dma_start3A_232 = tpu.memref_slice %arg16[%add3A_172, %dma_start3A_231] : memref<10112x128xf32, #tpu.memory_space<vmem_shared>> -> memref<120x128xf32, #tpu.memory_space<vmem_shared>>
      tpu.enqueue_dma source(%dma_start3A_232 : memref<120x128xf32, #tpu.memory_space<vmem_shared>>) target(%dma_start3A_230 : memref<120x128xf32, #tpu.memory_space<vmem>>) target_semaphore(%run_scoped3A : memref<!tpu.dma_semaphore, #tpu.memory_space<semaphore_mem>>)
      %dma_wait3A_233 = arith.constant 0 : i32
      %dma_wait3A_234 = arith.constant 0 : i32
      %dma_wait3A_235 = tpu.memref_slice %arg8[%dma_wait3A_233, %dma_wait3A_234] : memref<128x128xf32, #tpu.memory_space<vmem>> -> memref<120x128xf32, #tpu.memory_space<vmem>>
      %dma_wait3A_236 = arith.constant 0 : i32
      %dma_wait3A_237 = tpu.memref_slice %arg16[%add3A_172, %dma_wait3A_236] : memref<10112x128xf32, #tpu.memory_space<vmem_shared>> -> memref<120x128xf32, #tpu.memory_space<vmem_shared>>
      %dma_wait3A_238 = arith.constant 0 : i32
      %dma_wait3A_239 = arith.constant 0 : i32
      %dma_wait3A_240 = tpu.memref_slice %arg8[%dma_wait3A_238, %dma_wait3A_239] : memref<128x128xf32, #tpu.memory_space<vmem>> -> memref<120x128xf32, #tpu.memory_space<vmem>>
      %dma_wait3A_241 = arith.constant 0 : i32
      %dma_wait3A_242 = tpu.memref_slice %arg16[%add3A_172, %dma_wait3A_241] : memref<10112x128xf32, #tpu.memory_space<vmem_shared>> -> memref<120x128xf32, #tpu.memory_space<vmem_shared>>
      tpu.wait_dma2 semaphore(%run_scoped3A : memref<!tpu.dma_semaphore, #tpu.memory_space<semaphore_mem>>) src(%dma_wait3A_242 : memref<120x128xf32, #tpu.memory_space<vmem_shared>>) dst(%dma_wait3A_240 : memref<120x128xf32, #tpu.memory_space<vmem>>)
      tpu.yield
    }) : () -> ()
    %dma_start3A_185 = arith.constant 0 : i32
    %dma_start3A_186 = arith.constant 0 : i32
    %dma_start3A_187 = tpu.memref_slice %arg8[%dma_start3A_185, %dma_start3A_186] : memref<128x128xf32, #tpu.memory_space<vmem>> -> memref<120x128xf32, #tpu.memory_space<vmem>>
    %dma_start3A_188 = arith.constant 0 : i32
    %dma_start3A_189 = tpu.memref_slice %arg5[%arg0, %add3A_172, %dma_start3A_188] : memref<2x10112x128xf32, #tpu.memory_space<hbm>> -> memref<1x120x128xf32, #tpu.memory_space<hbm>>
    %dma_start3A_190 = tpu.memref_squeeze %dma_start3A_189 : memref<1x120x128xf32, #tpu.memory_space<hbm>> -> memref<120x128xf32, #tpu.memory_space<hbm>>
    %dma_start3A_191 = arith.constant 0 : i32
    %dma_start3A_192 = tpu.memref_slice %arg5[%arg0, %add3A_172, %dma_start3A_191] : memref<2x10112x128xf32, #tpu.memory_space<hbm>> -> memref<1x120x128xf32, #tpu.memory_space<hbm>>
    %dma_start3A_193 = tpu.memref_squeeze %dma_start3A_192 : memref<1x120x128xf32, #tpu.memory_space<hbm>> -> memref<120x128xf32, #tpu.memory_space<hbm>>
    %dma_start3A_194 = arith.constant 0 : i32
    %dma_start3A_195 = arith.constant 0 : i32
    %dma_start3A_196 = tpu.memref_slice %arg8[%dma_start3A_194, %dma_start3A_195] : memref<128x128xf32, #tpu.memory_space<vmem>> -> memref<120x128xf32, #tpu.memory_space<vmem>>
    tpu.enqueue_dma source(%dma_start3A_196 : memref<120x128xf32, #tpu.memory_space<vmem>>) target(%dma_start3A_193 : memref<120x128xf32, #tpu.memory_space<hbm>>) target_semaphore(%arg10 : memref<!tpu.dma_semaphore, #tpu.memory_space<semaphore_mem>>)
    %add3A_197 = arith.constant 120 : i32
    %add3A_198 = arith.addi %add3A_172, %add3A_197 : i32
    %dma_wait3A_199 = arith.constant 0 : i32
    %dma_wait3A_200 = arith.constant 0 : i32
    %dma_wait3A_201 = tpu.memref_slice %arg8[%dma_wait3A_199, %dma_wait3A_200] : memref<128x128xf32, #tpu.memory_space<vmem>> -> memref<120x128xf32, #tpu.memory_space<vmem>>
    %dma_wait3A_202 = arith.constant 0 : i32
    %dma_wait3A_203 = tpu.memref_slice %arg5[%arg0, %add3A_172, %dma_wait3A_202] : memref<2x10112x128xf32, #tpu.memory_space<hbm>> -> memref<1x120x128xf32, #tpu.memory_space<hbm>>
    %dma_wait3A_204 = tpu.memref_squeeze %dma_wait3A_203 : memref<1x120x128xf32, #tpu.memory_space<hbm>> -> memref<120x128xf32, #tpu.memory_space<hbm>>
    %dma_wait3A_205 = arith.constant 0 : i32
    %dma_wait3A_206 = tpu.memref_slice %arg5[%arg0, %add3A_172, %dma_wait3A_205] : memref<2x10112x128xf32, #tpu.memory_space<hbm>> -> memref<1x120x128xf32, #tpu.memory_space<hbm>>
    %dma_wait3A_207 = tpu.memref_squeeze %dma_wait3A_206 : memref<1x120x128xf32, #tpu.memory_space<hbm>> -> memref<120x128xf32, #tpu.memory_space<hbm>>
    %dma_wait3A_208 = arith.constant 0 : i32
    %dma_wait3A_209 = arith.constant 0 : i32
    %dma_wait3A_210 = tpu.memref_slice %arg8[%dma_wait3A_208, %dma_wait3A_209] : memref<128x128xf32, #tpu.memory_space<vmem>> -> memref<120x128xf32, #tpu.memory_space<vmem>>
    tpu.wait_dma2 semaphore(%arg10 : memref<!tpu.dma_semaphore, #tpu.memory_space<semaphore_mem>>) src(%dma_wait3A_210 : memref<120x128xf32, #tpu.memory_space<vmem>>) dst(%dma_wait3A_207 : memref<120x128xf32, #tpu.memory_space<hbm>>)
    %dma_wait3A_211 = arith.constant 0 : i32
    %dma_wait3A_212 = arith.constant 0 : i32
    %dma_wait3A_213 = tpu.memref_slice %arg9[%dma_wait3A_211, %dma_wait3A_212] : memref<128x128xf32, #tpu.memory_space<vmem>> -> memref<128x128xf32, #tpu.memory_space<vmem>>
    %dma_wait3A_214 = arith.constant 0 : i32
    %dma_wait3A_215 = tpu.memref_slice %arg5[%arg0, %add3A_146, %dma_wait3A_214] : memref<2x10112x128xf32, #tpu.memory_space<hbm>> -> memref<1x128x128xf32, #tpu.memory_space<hbm>>
    %dma_wait3A_216 = tpu.memref_squeeze %dma_wait3A_215 : memref<1x128x128xf32, #tpu.memory_space<hbm>> -> memref<128x128xf32, #tpu.memory_space<hbm>>
    %dma_wait3A_217 = arith.constant 0 : i32
    %dma_wait3A_218 = tpu.memref_slice %arg5[%arg0, %add3A_146, %dma_wait3A_217] : memref<2x10112x128xf32, #tpu.memory_space<hbm>> -> memref<1x128x128xf32, #tpu.memory_space<hbm>>
    %dma_wait3A_219 = tpu.memref_squeeze %dma_wait3A_218 : memref<1x128x128xf32, #tpu.memory_space<hbm>> -> memref<128x128xf32, #tpu.memory_space<hbm>>
    %dma_wait3A_220 = arith.constant 0 : i32
    %dma_wait3A_221 = arith.constant 0 : i32
    %dma_wait3A_222 = tpu.memref_slice %arg9[%dma_wait3A_220, %dma_wait3A_221] : memref<128x128xf32, #tpu.memory_space<vmem>> -> memref<128x128xf32, #tpu.memory_space<vmem>>
    tpu.wait_dma2 semaphore(%arg11 : memref<!tpu.dma_semaphore, #tpu.memory_space<semaphore_mem>>) src(%dma_wait3A_222 : memref<128x128xf32, #tpu.memory_space<vmem>>) dst(%dma_wait3A_219 : memref<128x128xf32, #tpu.memory_space<hbm>>)
    return
  }
}

</mosaic_0001>

<sc_bundles>
// kernel: _sc_scatter.3.cloned.1.call-start
scs
__scs_entry_jumppad:
0x0: {  	(pc) =	sbr.rel $0x88, $3  }
0x1: {  	(tag) =	ssettag $0x0;
	lr =	simm.s32 $0x1  }
0x2: {  	[smem:$0x3F9E] =	sst lr;
	_ =	strace $0xD0000000  }
0x3: {  	_ = 	snop  }
0x4: {  	_ = 	snop  }
0x5: {  	_ = 	snop  }
0x6: {  	_ = 	snop  }
0x7: {  	_ = 	snop  }
__scs_overlays_trampoline_lowered:
0x8: {  	[smem:$0x3FAD] =	sst s0  }
0x9: {  	[smem:$0x3FAE] =	sst s1  }
0xa: {  	[smem:$0x3FAF] =	sst s2  }
0xb: {  	[smem:$0x3FB0] =	sst s3  }
0xc: {  	[smem:$0x3FB1] =	sst s4  }
0xd: {  	[smem:$0x3FB2] =	sst s5  }
0xe: {  	[smem:$0x3FB3] =	sst s6  }
0xf: {  	[smem:$0x3FB4] =	sst s7  }
0x10: {  	[smem:$0x3FB5] =	sst s8  }
0x11: {  	[smem:$0x3FB6] =	sst s9;
	s0 =	simm.s32 @!p0 $0x0  }
0x12: {  	s1 =	sld [smem:$0x3F9C];
	s0 =	simm.s32 @p0 $0x1  }
0x13: {  	[smem:$0x3FB7] =	sst s0;
	s0 =	simm.s32 @!p1 $0x0  }
0x14: {  	s2 =	sld [smem:$0x3F9B];
	s0 =	simm.s32 @p1 $0x1  }
0x15: {  	[smem:$0x3FB8] =	sst s0;
	s0 =	simm.s32 @!p2 $0x0  }
0x16: {  	s3 =	sld [smem:$0x3FDB];
	s0 =	simm.s32 @p2 $0x1  }
0x17: {  	s4 =	simm.s32 $0x1BF5;
	[smem:$0x3FBA] =	sst s0  }
0x18: {  	s0 =	sld [smem:$0x3F9D];
	_ =	swait.ge [sflag:s4], $0x0  }
0x19: {  	s7 =	sld [smem:$0x3F9E]  }
0x1a: {  	s8 =	sadd.s32 $0xFFFFE003, lr  }
0x1b: {  	s9 =	sadd.s32 $0xFFFFFEF7, lr;
	s5 =	simm.s32 $0xFFFFFFFF;
	p2 =	slt.u32 s8, $0xFFFFF086  }
0x1c: {  	p1 =	slt.u32 s9, $0xF7A;
	s5 =	simm.s32 @!p2 $0x0  }
0x1d: {  	s5 =	simm.s32 @p1 $0x1;
	p0 =	seq.s32 s7, s2  }
0x1e: {  	s7 =	smul.u32 @!p0 $0xF7A, s2;
	p2 =	seq.s32 @!p0 s5, $0x0  }
0x1f: {  	s9 =	smul.u32 $0xF7A, s1;
	s8 =	simm.s32 @!p0 $0x1BF5;
	p2 =	por !p2, p0  }
0x20: {  	[sflag:s8] =	ssyncset.s32 @!p0 $0xFFFFF086;
	s6 =	sadd.s32 @!p0 s3, s7;
	s7 =	simm.s32 @!p0 $0x108  }
0x21: {  	s3 =	sadd.s32 s3, s9;
	s6 =	sadd.s32 @!p0 $0x88, s6;
	s7 =	simm.s32 @p2 $0x1082  }
0x22: {  	[simem:s7], [sflag:s8] =	dma.local @!p0 [hbm:s6], $0xF7A  }
0x23: {  	s9 =	sor.u32 $0xD0000000, s2;
	s6 =	simm.s32 $0x108;
	_ =	swait.ge @!p0 [sflag:s8], $0x0  }
0x24: {  	s3 =	sadd.s32 $0x88, s3;
	s6 =	simm.s32 @!p1 $0x1082;
	[sflag:s4] =	ssyncset.s32 $0xFFFFF086  }
0x25: {  	[simem:s6], [sflag:s4] =	dma.local [hbm:s3], $0xF7A  }
0x26: {  	[smem:$0x3F9E] =	sst s1;
	(tag) =	ssettag s2;
	_ =	strace s9  }
0x27: {  	s1 =	sld [smem:$0x3FAE]  }
0x28: {  	s2 =	sld [smem:$0x3FAF]  }
0x29: {  	s4 =	sld [smem:$0x3FB1]  }
0x2a: {  	p0 =	seq.s32 s5, $0x0;
	s5 =	sld [smem:$0x3FB2]  }
0x2b: {  	s6 =	sld [smem:$0x3FB3]  }
0x2c: {  	s7 =	sld [smem:$0x3FB4]  }
0x2d: {  	s3 =	simm.s32 $0x108;
	s8 =	sld [smem:$0x3FB5]  }
0x2e: {  	s3 =	simm.s32 @!p0 $0x1082;
	s9 =	sld [smem:$0x3FB6]  }
0x2f: {  	lr =	sadd.s32 s0, s3;
	s0 =	sld [smem:$0x3FAD]  }
0x30: {  	s3 =	sld [smem:$0x3FB0]  }
0x31: {  	[smem:$0x3FB9] =	sst s10  }
0x32: {  	s10 =	sld [smem:$0x3FB7];
	_ =	sdelay $0x3  }
0x33: {  	p0 =	seq.s32 s10, $0x1;
	s10 =	sld [smem:$0x3FB9];
	_ =	sdelay $0x3  }
0x34: {  	[smem:$0x3FB9] =	sst s10  }
0x35: {  	s10 =	sld [smem:$0x3FB8];
	_ =	sdelay $0x3  }
0x36: {  	p1 =	seq.s32 s10, $0x1;
	s10 =	sld [smem:$0x3FB9];
	_ =	sdelay $0x3  }
0x37: {  	[smem:$0x3FB9] =	sst s10  }
0x38: {  	s10 =	sld [smem:$0x3FBA]  }
0x39: {  	_ = 	snop;
	(pc) =	sbr.ind lr, $3  }
0x3a: {  	_ = 	snop  }
0x3b: {  	_ = 	snop  }
0x3c: {  	p2 =	seq.s32 s10, $0x1;
	s10 =	sld [smem:$0x3FB9]  }
0x3d: {  	_ =	shalt  }
0x3e: {  	_ =	shalt  }
0x3f: {  	_ =	shalt  }
0x40: {  	_ =	shalt  }
0x41: {  	_ =	shalt  }
0x42: {  	_ =	shalt  }
0x43: {  	_ =	shalt  }
0x44: {  	_ =	shalt  }
0x45: {  	_ =	shalt  }
0x46: {  	_ =	shalt  }
0x47: {  	_ =	shalt  }
0x48: {  	_ =	shalt  }
0x49: {  	_ =	shalt  }
0x4a: {  	_ =	shalt  }
0x4b: {  	_ =	shalt  }
0x4c: {  	_ =	shalt  }
0x4d: {  	_ =	shalt  }
0x4e: {  	_ =	shalt  }
0x4f: {  	_ =	shalt  }
0x50: {  	_ =	shalt  }
0x51: {  	_ =	shalt  }
0x52: {  	_ =	shalt  }
0x53: {  	_ =	shalt  }
0x54: {  	_ =	shalt  }
0x55: {  	_ =	shalt  }
0x56: {  	_ =	shalt  }
0x57: {  	_ =	shalt  }
0x58: {  	_ =	shalt  }
0x59: {  	_ =	shalt  }
0x5a: {  	_ =	shalt  }
0x5b: {  	_ =	shalt  }
0x5c: {  	_ =	shalt  }
0x5d: {  	_ =	shalt  }
0x5e: {  	_ =	shalt  }
0x5f: {  	_ =	shalt  }
0x60: {  	_ =	shalt  }
0x61: {  	_ =	shalt  }
0x62: {  	_ =	shalt  }
0x63: {  	_ =	shalt  }
0x64: {  	_ =	shalt  }
0x65: {  	_ =	shalt  }
0x66: {  	_ =	shalt  }
0x67: {  	_ =	shalt  }
0x68: {  	_ =	shalt  }
0x69: {  	_ =	shalt  }
0x6a: {  	_ =	shalt  }
0x6b: {  	_ =	shalt  }
0x6c: {  	_ =	shalt  }
0x6d: {  	_ =	shalt  }
0x6e: {  	_ =	shalt  }
0x6f: {  	_ =	shalt  }
0x70: {  	_ =	shalt  }
0x71: {  	_ =	shalt  }
0x72: {  	_ =	shalt  }
0x73: {  	_ =	shalt  }
0x74: {  	_ =	shalt  }
0x75: {  	_ =	shalt  }
0x76: {  	_ =	shalt  }
0x77: {  	_ =	shalt  }
0x78: {  	_ =	shalt  }
0x79: {  	_ =	shalt  }
0x7a: {  	_ =	shalt  }
0x7b: {  	_ =	shalt  }
0x7c: {  	_ =	shalt  }
0x7d: {  	_ =	shalt  }
0x7e: {  	_ =	shalt  }
0x7f: {  	_ =	shalt  }
0x80: {  	_ =	shalt  }
0x81: {  	_ =	shalt  }
0x82: {  	_ =	shalt  }
0x83: {  	_ =	shalt  }
0x84: {  	_ =	shalt  }
0x85: {  	_ =	shalt  }
0x86: {  	_ =	shalt  }
0x87: {  	_ =	shalt  }
.Lfunc_end0:
.L_simem_size_0:
called_computation_lowered:
.L_overlay_start_0:
0x88: {  	s2 =	sld [smem:$0x3FD9]  }
0x89: {  	s3 =	sld [smem:$0x3FFE];
	_ =	sdelay $0x1  }
0x8a: {  	s1 =	srdreg.scid  }
0x8b: {  	s0 =	sand.u32 $0x1, s1  }
0x8c: {  	s18 =	sshll.u32 s0, $0xA;
	s2 =	sadd.s32 s3, s2  }
0x8d: {  	s2 =	sadd.s32 s2, s18  }
0x8e: {  	[smem:$0x3FC5] =	sst s2  }
0x8f: {  	_ = 	snop  }
0x90: {  	s2 =	sld [smem:$0x3FC9]  }
0x91: {  	s19 =	sld [smem:$0x3FC8]  }
0x92: {  	s4 =	sld [smem:$0x3FC7]  }
0x93: {  	s5 =	sld [smem:$0x3FD0];
	(tm) =	ssettm $0x1  }
0x94: {  	s6 =	sld [smem:$0x3FFB];
	_ =	sdelay $0x3  }
0x95: {  	_ =	strace s6  }
0x96: {  	s6 =	sld [smem:$0x3FFC];
	_ =	sdelay $0x3  }
0x97: {  	_ =	strace s6  }
0x98: {  	s6 =	sld [smem:$0x3FFD];
	_ =	sdelay $0x3  }
0x99: {  	_ =	strace s6  }
0x9a: {  	_ =	strace $0x8FFFFFFF  }
0x9b: {  	s20 =	sld [smem:$0x3FDB];
	_ =	sdelay $0x1  }
0x9c: {  	s7 =	simm.s32 $_scs_section_size  }
0x9d: {  	s8 =	simm.s32 $_size__tile_overlayer_lowered;
	s9 =	simm.s32 $_tile_overlayer_lowered  }
0x9e: {  	s23 =	simm.s32 $0x1BFF;
	s22 =	sshll.u32 s9, $0x1;
	s6 =	sadd.s32 s7, s20  }
0x9f: {  	s10 =	simm.s32 $0x0;
	s21 =	sshll.u32 s8, $0x1;
	s8 =	sadd.s32 s22, s6  }
0xa0: {  	[timem:s10], [sflag:s23] =	dma.local [hbm:s8], s21  }
0xa1: {  	_ =	swait.ge [sflag:s23], s21  }
0xa2: {  	s7 =	ssub.s32 $0x0, s21;
	[sflag:s23] =	ssyncset.done $0x0  }
0xa3: {  	[sflag:s23] =	ssyncadd.s32 s7;
	_ =	sdelay $0x1  }
0xa4: {  	s24 =	simm.s32 $0x1B8B  }
0xa5: {  	_ =	swait.ge [sflag:s24], $0x1  }
0xa6: {  	[sflag:s24] =	ssyncset.done $0x0  }
0xa7: {  	s25 =	simm.s32 $0x1B8E;
	[sflag:s24] =	ssyncadd.s32 $0xFFFFFFFF  }
0xa8: {  	s26 =	simm.s32 $execute0_lowered;
	[smem:$0x3FD2] =	sst s25  }
0xa9: {  	s7 =	sshll.u32 s26, $0x1;
	_ =	strace $0x80000046;
	[dreg:$0x1] =	wrdreg $0xFFFFFFFF  }
0xaa: {  	s28 =	simm.s32 $_size_execute0_lowered;
	s6 =	sadd.s32 s6, s7;
	[dreg:$0x0] =	wrdreg $0x0  }
0xab: {  	s7 =	sshll.u32 s28, $0x1;
	[dreg:$0x2] =	wrdreg s6  }
0xac: {  	[dreg:$0x3] =	wrdreg s7  }
0xad: {  	[dreg:$0x4] =	wrdreg $0xC0  }
0xae: {  	_ =	task [dreg:s10], $0x5FFFF  }
0xaf: {  	[dreg:$0x1] =	wrdreg $0xFFFFFFFF  }
0xb0: {  	[dreg:$0x0] =	wrdreg $0x60  }
0xb1: {  	[dreg:$0x2] =	wrdreg s2  }
0xb2: {  	[dreg:$0x3] =	wrdreg s19  }
0xb3: {  	[dreg:$0x4] =	wrdreg s4  }
0xb4: {  	[dreg:$0x5] =	wrdreg s5  }
0xb5: {  	[dreg:$0x6] =	wrdreg $0x90000  }
0xb6: {  	[dreg:$0x7] =	wrdreg $0x9  }
0xb7: {  	_ =	task.clear_ibuf [dreg:s10], $0x8FFFF;
	_ =	strace $0x90000046  }
0xb8: {  	s29 =	simm.s32 $0x9;
	_ =	strace $0x80000048  }
0xb9: {  	_ =	swait.ge [sflag:s29], $0x1  }
0xba: {  	[sflag:s29] =	ssyncadd.s32 $0xFFFFFFFF  }
0xbb: {  	_ =	strace $0x90000048  }
0xbc: {  	_ =	sfence  }
0xbd: {  	s30 =	sld [smem:$0x0];
	_ =	sdelay $0x2  }
0xbe: {  	s31 =	sshll.u32 s1, $0xD;
	s1 =	sshrl.u32 s1, $0x2  }
0xbf: {  	s3 =	sand.u32 $0x4000, s31;
	s1 =	sadd.s32 s1, s30  }
0xc0: {  	s0 =	sor.u32 s3, s0;
	s1 =	sshll.u32 s1, $0x11  }
0xc1: {  	s0 =	sor.u32 s1, s0  }
0xc2: {  	s0 =	sadd.s32 $0x8F2B, s0  }
0xc3: {  	[sflag:s0] =	ssyncadd.remote.s32 $0x1  }
0xc4: {  	_ =	sfence.sel $0xFFFF  }
0xc5: {  	[dreg:$0x0] =	wrdreg $0xFFFFFFFF;
	(pc) =	sbr.abs _section_cstart, $3  }
0xc6: {  	[dreg:$0x1] =	wrdreg $0xFFFFFFFF  }
0xc7: {  	_ =	task.clear_ibuf [dreg:s10], $0x2FFFF;
	_ =	strace $0x9FFFFFFF  }
0xc8: {  	(tm) =	ssettm $0x7FFFFFFF  }
0xc9: {  	_ =	shalt  }
tec
execute0_lowered:
.L_overlay_start_1:
0x0: {  	(tag) =	ssettag $0x1  }
0x1: {  	s1 =	rddreg [dreg:$0x0]  }
0x2: {  	s2 =	rddreg [dreg:$0x1]  }
0x3: {  	s3 =	rddreg [dreg:$0x2]  }
0x4: {  	s0 =	rddreg [dreg:$0x3]  }
0x5: {  	s5 =	rddreg [dreg:$0x4]  }
0x6: {  	s4 =	srdreg.scid;
	s11 =	stileid.u32;
	s6 =	simm.s32 $0x0  }
0x7: {  	s22 =	simm.s32 $0x980;
	s28 =	simm.s32 $0xC00;
	s7 =	smul.u32 $0x4F000, s11  }
0x8: {  	s29 =	simm.s32 $0x80;
	s12 =	sand.u32 $0x1, s4;
	s13 =	smul.u32 $0x13C00, s11  }
0x9: {  	[smem:$0x7FF] =	sst s6;
	s10 =	smul.u32 $0x2C00, s11;
	s4 =	ssub.s32 $0x2, s12  }
0xa: {  	_ =	strace $0x80000047;
	s9 =	smul.u32 $0x2C000, s12;
	s23 =	sshll.u32 s12, $0x4  }
0xb: {  	s12 =	smul.u32 $0x13C000, s12;
	[dreg:$0xa] =	wrdreg s22;
	s22 =	simm.s32 $0x280  }
0xc: {  	s8 =	sshrl.u32 s4, $0x1;
	s7 =	sshrl.u32 s7, $0x2;
	s11 =	sor.u32 s11, s23  }
0xd: {  	s14 =	sadd.s32 $0x4000, s13;
	s23 =	simm.s32 $0x100;
	[dreg:$0x11] =	wrdreg s22  }
0xe: {  	s15 =	sadd.s32 $0x8000, s13;
	s22 =	simm.s32 $0xE00;
	[dreg:$0xb] =	wrdreg s23  }
0xf: {  	s17 =	sadd.s32 $0x10000, s13;
	s24 =	sadd.s32 s14, s5;
	[dreg:$0x1a] =	wrdreg s22  }
0x10: {  	s16 =	sadd.s32 $0xC000, s13;
	s25 =	sadd.s32 s17, s5;
	[dreg:$0x1e] =	wrdreg s24  }
0x11: {  	s18 =	smul.u32 $0x2C00, s11;
	s11 =	simm.s32 $0x880;
	[smem:$0x7F4] =	sst s25  }
0x12: {  	s4 =	ssub.s32 s4, s8;
	s23 =	simm.s32 $0xB80;
	[dreg:$0x8] =	wrdreg s11  }
0x13: {  	s8 =	sadd.s32 s7, s5;
	s24 =	simm.s32 $0xA00;
	[dreg:$0x12] =	wrdreg s23  }
0x14: {  	s7 =	sadd.s32 s10, s9;
	s11 =	simm.s32 $0xA80;
	[dreg:$0xc] =	wrdreg s24  }
0x15: {  	s13 =	sadd.s32 s13, s12;
	s4 =	smax.u32 s4, $0x1;
	[dreg:$0xe] =	wrdreg s11  }
0x16: {  	s13 =	sshrl.u32 s13, $0x3;
	s23 =	sadd.s32 $0x800, s7;
	[smem:$0x7FC] =	sst s4  }
0x17: {  	s30 =	simm.s32 $0x5000;
	s25 =	sadd.s32 s0, s13;
	[smem:$0x7FD] =	sst s23  }
0x18: {  	s10 =	sadd.s32 $0x400, s7;
	s11 =	simm.s32 $0x380;
	[smem:$0x7F7] =	sst s25  }
0x19: {  	s19 =	sshrl.u32 s10, $0x3;
	s10 =	sadd.s32 s16, s5;
	[dreg:$0x14] =	wrdreg s11  }
0x1a: {  	s18 =	sshrl.u32 s18, $0x3;
	s20 =	sadd.s32 s19, s3;
	[dreg:$0x1f] =	wrdreg s10  }
0x1b: {  	s31 =	simm.s32 $0x1;
	s26 =	sadd.s32 s2, s18;
	[dreg:$0x6] =	wrdreg s20  }
0x1c: {  	s9 =	sadd.s32 s15, s5;
	s19 =	sadd.s32 s19, s2;
	[smem:$0x7F5] =	sst s26  }
0x1d: {  	s14 =	sadd.s32 s12, s14;
	s21 =	sadd.s32 s3, s18;
	[dreg:$0x7] =	wrdreg s19  }
0x1e: {  	s22 =	simm.s32 $0x7;
	s18 =	simm.s32 $0x200;
	[smem:$0x7F6] =	sst s21  }
0x1f: {  	s14 =	sshrl.u32 s14, $0x3;
	s25 =	simm.s32 $0x300;
	[dreg:$0xf] =	wrdreg s18  }
0x20: {  	s23 =	simm.s32 $0x800;
	s20 =	simm.s32 $0x900;
	[dreg:$0x13] =	wrdreg s25  }
0x21: {  	s4 =	simm.s32 $0x4;
	s26 =	simm.s32 $0x180;
	[dreg:$0x9] =	wrdreg s20  }
0x22: {  	s13 =	simm.s32 $0xF00;
	s19 =	sadd.s32 s0, s14;
	[dreg:$0xd] =	wrdreg s26  }
0x23: {  	s21 =	sadd.s32 s12, s15;
	s15 =	simm.s32 $0xC80;
	[smem:$0x7F8] =	sst s19  }
0x24: {  	s18 =	simm.s32 $0xD00;
	s25 =	simm.s32 $0xE80;
	[dreg:$0x15] =	wrdreg s15  }
0x25: {  	s20 =	simm.s32 $0xB00;
	s14 =	sshrl.u32 s21, $0x3;
	[dreg:$0x16] =	wrdreg s18  }
0x26: {  	s26 =	sadd.s32 s12, s16;
	s12 =	sadd.s32 s12, s17;
	[dreg:$0x1c] =	wrdreg s25  }
0x27: {  	s19 =	simm.s32 $0x480;
	s21 =	simm.s32 $0x500;
	[dreg:$0x10] =	wrdreg s20  }
0x28: {  	s25 =	simm.s32 $0x5;
	s15 =	simm.s32 $0xF80;
	[dreg:$0x17] =	wrdreg s19  }
0x29: {  	s17 =	simm.s32 $0x780;
	s24 =	sadd.s32 s0, s14;
	[dreg:$0x19] =	wrdreg s21  }
0x2a: {  	s18 =	simm.s32 $0x0;
	s20 =	simm.s32 $0xD80;
	[smem:$0x7F9] =	sst s24  }
0x2b: {  	s14 =	sshrl.u32 s26, $0x3;
	s26 =	simm.s32 $0x600;
	[dreg:$0x18] =	wrdreg s20  }
0x2c: {  	s12 =	sshrl.u32 s12, $0x3;
	s16 =	sadd.s32 s0, s14;
	[dreg:$0x1d] =	wrdreg s26  }
0x2d: {  	s21 =	simm.s32 $0x1000;
	s0 =	sadd.s32 s0, s12;
	[smem:$0x7FA] =	sst s16  }
0x2e: {  	s24 =	simm.s32 $0x580;
	s26 =	simm.s32 $0x400;
	[smem:$0x7FB] =	sst s0  }
0x2f: {  	s12 =	simm.s32 $0x6;
	s14 =	simm.s32 $0x680;
	[dreg:$0x1b] =	wrdreg s24  }
0x30: {  	v0 =	vimm.f32 $0.0e+00;
	s24 =	simm.s32 $0x3;
	s0 =	simm.s32 $0x2;
	s16 =	simm.s32 $0x700  }
.LBB2_1:
0x31: {  	s19 =	simm.s32 $0x0;
	s20 =	simm.s32 $0x200  }
.LBB2_2:
0x32: {  	p0 =	sne.s32 s20, $0xFE00;
	[tilespmem:s19+$0x1070] =	vst v0  }
0x33: {  	[tilespmem:s19+$0x1000] =	vst v0  }
0x34: {  	[tilespmem:s19+$0x1010] =	vst v0  }
.Ltmp0:
0x35: {  	[tilespmem:s19+$0x1020] =	vst v0;
	(pc) =	sbr.rel @p0 .LBB2_2-.Ltmp0, $4  }
0x36: {  	[tilespmem:s19+$0x1030] =	vst v0  }
0x37: {  	[tilespmem:s19+$0x1040] =	vst v0  }
0x38: {  	[tilespmem:s19+$0x1050] =	vst v0  }
0x39: {  	[tilespmem:s19+$0x1060] =	vst v0;
	s19 =	sshra.s32 s20, $0x2;
	s20 =	sadd.s32 $0x200, s20  }
0x3a: {  	[tilespmem:s19+$0x1070] =	vst v0  }
0x3b: {  	[tilespmem:s19+$0x1000] =	vst v0  }
0x3c: {  	[tilespmem:s19+$0x1010] =	vst v0  }
0x3d: {  	[tilespmem:s19+$0x1020] =	vst v0  }
0x3e: {  	[tilespmem:s19+$0x1030] =	vst v0  }
0x3f: {  	[tilespmem:s19+$0x1040] =	vst v0  }
0x40: {  	[tilespmem:s19+$0x1050] =	vst v0  }
0x41: {  	[tilespmem:s19+$0x1060] =	vst v0  }
0x42: {  	[spmem:s8] =	stream.linear.scatter [tilespmem:s21], [sflag:$0x7], $0x4000, $0x38;
	[tilespmem:$0x1CC00] =	vst v63  }
0x43: {  	_ =	swait.ge [sflag:s22], $0x4000  }
0x44: {  	[sflag:s22] =	ssyncset.done $0x0  }
0x45: {  	s7 =	rddreg [dreg:$0x1e];
	[sflag:s22] =	ssyncadd.s32 $0xFFFFC000  }
0x46: {  	[spmem:s7] =	stream.linear.scatter [tilespmem:s21], [sflag:$0x7], $0x4000, $0x38;
	[tilespmem:$0x1CC00] =	vst v63  }
0x47: {  	_ =	swait.ge [sflag:s22], $0x4000  }
0x48: {  	[sflag:s22] =	ssyncset.done $0x0  }
0x49: {  	[sflag:s22] =	ssyncadd.s32 $0xFFFFC000  }
0x4a: {  	[spmem:s9] =	stream.linear.scatter [tilespmem:s21], [sflag:$0x7], $0x4000, $0x38;
	[tilespmem:$0x1CC00] =	vst v63  }
0x4b: {  	_ =	swait.ge [sflag:s22], $0x4000  }
0x4c: {  	[sflag:s22] =	ssyncset.done $0x0  }
0x4d: {  	[sflag:s22] =	ssyncadd.s32 $0xFFFFC000  }
0x4e: {  	[spmem:s10] =	stream.linear.scatter [tilespmem:s21], [sflag:$0x7], $0x4000, $0x38;
	[tilespmem:$0x1CC00] =	vst v63  }
0x4f: {  	_ =	swait.ge [sflag:s22], $0x4000  }
0x50: {  	s7 =	smov.u32 s9;
	s9 =	sld [smem:$0x7F4]  }
0x51: {  	[sflag:s22] =	ssyncset.done $0x0  }
0x52: {  	[sflag:s22] =	ssyncadd.s32 $0xFFFFC000  }
0x53: {  	[spmem:s9] =	stream.linear.scatter [tilespmem:s21], [sflag:$0x7], $0x3C00, $0x38;
	[tilespmem:$0x1CC00] =	vst v63  }
0x54: {  	_ =	swait.ge [sflag:s22], $0x3C00  }
0x55: {  	[sflag:s22] =	ssyncset.done $0x0  }
0x56: {  	[sflag:s22] =	ssyncadd.s32 $0xFFFFC400  }
0x57: {  	[bflag:$0x0] =	sbarrier.arrive $0xFFFF  }
0x58: {  	s20 =	sld [smem:$0x7F5];
	_ =	sdelay $0x1  }
0x59: {  	s10 =	simm.s32 $0x0;
	s9 =	sld [smem:$0x7F6]  }
0x5a: {  	[tilespmem:s10], [sflag:$0x3] =	stream.linear.gather [hbm4b:s20+s10], $0x400, $0x38;
	[tilespmem:$0x1CC00] =	vst v63  }
0x5b: {  	_ = 	snop  }
0x5c: {  	[tilespmem:s23], [sflag:$0x5] =	stream.linear.gather [hbm4b:s9+s10], $0x400, $0x38;
	[tilespmem:$0x1CC00] =	vst v63  }
0x5d: {  	_ =	swait.ge [sflag:s24], $0x400  }
0x5e: {  	[sflag:s24] =	ssyncset.done $0x0  }
0x5f: {  	[sflag:s24] =	ssyncadd.s32 $0xFFFFFC00  }
0x60: {  	_ =	swait.ge [sflag:s25], $0x400  }
0x61: {  	s10 =	rddreg [dreg:$0x7];
	[sflag:s25] =	ssyncset.done $0x0  }
0x62: {  	s20 =	rddreg [dreg:$0x6];
	[sflag:s25] =	ssyncadd.s32 $0xFFFFFC00;
	s19 =	sadd.s32 $0x0, s10  }
0x63: {  	[tilespmem:s26], [sflag:$0x4] =	stream.linear.gather [hbm4b:s19+s6], $0x400, $0x38;
	[tilespmem:$0x1CC00] =	vst v63  }
0x64: {  	s20 =	sadd.s32 $0x0, s20  }
0x65: {  	[tilespmem:s28], [sflag:$0x6] =	stream.linear.gather [hbm4b:s20+s6], $0x400, $0x38;
	[tilespmem:$0x1CC00] =	vst v63  }
0x66: {  	_ = 	snop  }
0x67: {  	[tilespmem:s21], [sflag:$0x1] =	stream.indirect.gather [hbm4b:s1+s29], $0x80, s23, s29, $0xb8;
	[tilespmem:$0x1CC00] =	vst v63  }
0x68: {  	s11 =	smov.u32 s8;
	s8 =	rddreg [dreg:$0x8]  }
0x69: {  	[tilespmem:s30], [sflag:$0x2] =	stream.indirect.gather [hbm4b:s1+s29], $0x80, s8, s29, $0xb8;
	[tilespmem:$0x1CC00] =	vst v63  }
0x6a: {  	_ =	swait.ge [sflag:s31], $0x4000  }
0x6b: {  	[sflag:s31] =	ssyncset.done $0x0  }
0x6c: {  	[sflag:s31] =	ssyncadd.s32 $0xFFFFC000  }
0x6d: {  	[spmem:s5] =	stream.indirect.scatter.add.f32 [tilespmem:s21], [sflag:$0x7], $0x80, s6, s29, $0xb8;
	[tilespmem:$0x1CC00] =	vst v63  }
0x6e: {  	_ =	swait.ge [sflag:s22], $0x4000  }
0x6f: {  	[sflag:s22] =	ssyncset.done $0x0  }
0x70: {  	s9 =	rddreg [dreg:$0x9];
	[sflag:s22] =	ssyncadd.s32 $0xFFFFC000  }
0x71: {  	[tilespmem:s21], [sflag:$0x1] =	stream.indirect.gather [hbm4b:s1+s29], $0x80, s9, s29, $0xb8;
	[tilespmem:$0x1CC00] =	vst v63  }
0x72: {  	_ =	swait.ge [sflag:s0], $0x4000  }
0x73: {  	[sflag:s0] =	ssyncset.done $0x0  }
0x74: {  	[sflag:s0] =	ssyncadd.s32 $0xFFFFC000  }
0x75: {  	[spmem:s5] =	stream.indirect.scatter.add.f32 [tilespmem:s30], [sflag:$0x7], $0x80, s29, s29, $0xb8;
	[tilespmem:$0x1CC00] =	vst v63  }
0x76: {  	_ =	swait.ge [sflag:s22], $0x4000  }
0x77: {  	[sflag:s22] =	ssyncset.done $0x0  }
0x78: {  	s10 =	rddreg [dreg:$0xa];
	[sflag:s22] =	ssyncadd.s32 $0xFFFFC000  }
0x79: {  	[tilespmem:s30], [sflag:$0x2] =	stream.indirect.gather [hbm4b:s1+s29], $0x80, s10, s29, $0xb8;
	[tilespmem:$0x1CC00] =	vst v63  }
0x7a: {  	_ =	swait.ge [sflag:s31], $0x4000  }
0x7b: {  	[sflag:s31] =	ssyncset.done $0x0  }
0x7c: {  	s20 =	rddreg [dreg:$0xb];
	[sflag:s31] =	ssyncadd.s32 $0xFFFFC000  }
0x7d: {  	[spmem:s5] =	stream.indirect.scatter.add.f32 [tilespmem:s21], [sflag:$0x7], $0x80, s20, s29, $0xb8;
	[tilespmem:$0x1CC00] =	vst v63  }
0x7e: {  	_ =	swait.ge [sflag:s22], $0x4000  }
0x7f: {  	[sflag:s22] =	ssyncset.done $0x0  }
0x80: {  	s8 =	rddreg [dreg:$0xc];
	[sflag:s22] =	ssyncadd.s32 $0xFFFFC000  }
0x81: {  	[tilespmem:s21], [sflag:$0x1] =	stream.indirect.gather [hbm4b:s1+s29], $0x80, s8, s29, $0xb8;
	[tilespmem:$0x1CC00] =	vst v63  }
0x82: {  	_ =	swait.ge [sflag:s0], $0x4000  }
0x83: {  	[sflag:s0] =	ssyncset.done $0x0  }
0x84: {  	s9 =	rddreg [dreg:$0xd];
	[sflag:s0] =	ssyncadd.s32 $0xFFFFC000  }
0x85: {  	[spmem:s5] =	stream.indirect.scatter.add.f32 [tilespmem:s30], [sflag:$0x7], $0x80, s9, s29, $0xb8;
	[tilespmem:$0x1CC00] =	vst v63  }
0x86: {  	_ =	swait.ge [sflag:s22], $0x4000  }
0x87: {  	[sflag:s22] =	ssyncset.done $0x0  }
0x88: {  	s10 =	rddreg [dreg:$0xe];
	[sflag:s22] =	ssyncadd.s32 $0xFFFFC000  }
0x89: {  	[tilespmem:s30], [sflag:$0x2] =	stream.indirect.gather [hbm4b:s1+s29], $0x80, s10, s29, $0xb8;
	[tilespmem:$0x1CC00] =	vst v63  }
0x8a: {  	_ =	swait.ge [sflag:s31], $0x4000  }
0x8b: {  	[sflag:s31] =	ssyncset.done $0x0  }
0x8c: {  	s20 =	rddreg [dreg:$0xf];
	[sflag:s31] =	ssyncadd.s32 $0xFFFFC000  }
0x8d: {  	[spmem:s5] =	stream.indirect.scatter.add.f32 [tilespmem:s21], [sflag:$0x7], $0x80, s20, s29, $0xb8;
	[tilespmem:$0x1CC00] =	vst v63  }
0x8e: {  	_ =	swait.ge [sflag:s22], $0x4000  }
0x8f: {  	[sflag:s22] =	ssyncset.done $0x0  }
0x90: {  	s8 =	rddreg [dreg:$0x10];
	[sflag:s22] =	ssyncadd.s32 $0xFFFFC000  }
0x91: {  	[tilespmem:s21], [sflag:$0x1] =	stream.indirect.gather [hbm4b:s1+s29], $0x80, s8, s29, $0xb8;
	[tilespmem:$0x1CC00] =	vst v63  }
0x92: {  	_ =	swait.ge [sflag:s0], $0x4000  }
0x93: {  	[sflag:s0] =	ssyncset.done $0x0  }
0x94: {  	s9 =	rddreg [dreg:$0x11];
	[sflag:s0] =	ssyncadd.s32 $0xFFFFC000  }
0x95: {  	[spmem:s5] =	stream.indirect.scatter.add.f32 [tilespmem:s30], [sflag:$0x7], $0x80, s9, s29, $0xb8;
	[tilespmem:$0x1CC00] =	vst v63  }
0x96: {  	_ =	swait.ge [sflag:s22], $0x4000  }
0x97: {  	[sflag:s22] =	ssyncset.done $0x0  }
0x98: {  	s10 =	rddreg [dreg:$0x12];
	[sflag:s22] =	ssyncadd.s32 $0xFFFFC000  }
0x99: {  	[tilespmem:s30], [sflag:$0x2] =	stream.indirect.gather [hbm4b:s1+s29], $0x80, s10, s29, $0xb8;
	[tilespmem:$0x1CC00] =	vst v63  }
0x9a: {  	_ =	swait.ge [sflag:s31], $0x4000  }
0x9b: {  	[sflag:s31] =	ssyncset.done $0x0  }
0x9c: {  	s20 =	rddreg [dreg:$0x13];
	[sflag:s31] =	ssyncadd.s32 $0xFFFFC000  }
0x9d: {  	[spmem:s5] =	stream.indirect.scatter.add.f32 [tilespmem:s21], [sflag:$0x7], $0x80, s20, s29, $0xb8;
	[tilespmem:$0x1CC00] =	vst v63  }
0x9e: {  	_ =	swait.ge [sflag:s22], $0x4000  }
0x9f: {  	[sflag:s22] =	ssyncset.done $0x0  }
0xa0: {  	[sflag:s22] =	ssyncadd.s32 $0xFFFFC000  }
0xa1: {  	_ =	swait.ge [sflag:s0], $0x4000  }
0xa2: {  	[sflag:s0] =	ssyncset.done $0x0  }
0xa3: {  	s8 =	rddreg [dreg:$0x14];
	[sflag:s0] =	ssyncadd.s32 $0xFFFFC000  }
0xa4: {  	[spmem:s5] =	stream.indirect.scatter.add.f32 [tilespmem:s30], [sflag:$0x7], $0x80, s8, s29, $0xb8;
	[tilespmem:$0x1CC00] =	vst v63  }
0xa5: {  	_ =	swait.ge [sflag:s22], $0x4000  }
0xa6: {  	[sflag:s22] =	ssyncset.done $0x0  }
0xa7: {  	[sflag:s22] =	ssyncadd.s32 $0xFFFFC000  }
0xa8: {  	_ =	swait.ge [sflag:s4], $0x400  }
0xa9: {  	[sflag:s4] =	ssyncset.done $0x0  }
0xaa: {  	[sflag:s4] =	ssyncadd.s32 $0xFFFFFC00  }
0xab: {  	_ =	swait.ge [sflag:s12], $0x400  }
0xac: {  	s8 =	sld [smem:$0x7FD];
	_ =	sdelay $0x2  }
0xad: {  	[sflag:s12] =	ssyncset.done $0x0;
	s9 =	sshrl.u32 s8, $0x3  }
0xae: {  	[sflag:s12] =	ssyncadd.s32 $0xFFFFFC00;
	s10 =	sadd.s32 s2, s9  }
0xaf: {  	[tilespmem:s6], [sflag:$0x3] =	stream.linear.gather [hbm4b:s10+s6], $0x400, $0x38;
	[tilespmem:$0x1CC00] =	vst v63  }
0xb0: {  	s19 =	sadd.s32 s3, s9  }
0xb1: {  	[tilespmem:s23], [sflag:$0x5] =	stream.linear.gather [hbm4b:s19+s6], $0x400, $0x38;
	[tilespmem:$0x1CC00] =	vst v63  }
0xb2: {  	_ = 	snop  }
0xb3: {  	[tilespmem:s21], [sflag:$0x1] =	stream.indirect.gather [hbm4b:s1+s29], $0x80, s28, s29, $0xb8;
	[tilespmem:$0x1CC00] =	vst v63  }
0xb4: {  	s9 =	rddreg [dreg:$0x15]  }
0xb5: {  	[tilespmem:s30], [sflag:$0x2] =	stream.indirect.gather [hbm4b:s1+s29], $0x80, s9, s29, $0xb8;
	[tilespmem:$0x1CC00] =	vst v63  }
0xb6: {  	_ =	swait.ge [sflag:s31], $0x4000  }
0xb7: {  	[sflag:s31] =	ssyncset.done $0x0  }
0xb8: {  	[sflag:s31] =	ssyncadd.s32 $0xFFFFC000  }
0xb9: {  	[spmem:s5] =	stream.indirect.scatter.add.f32 [tilespmem:s21], [sflag:$0x7], $0x80, s26, s29, $0xb8;
	[tilespmem:$0x1CC00] =	vst v63  }
0xba: {  	_ =	swait.ge [sflag:s22], $0x4000  }
0xbb: {  	[sflag:s22] =	ssyncset.done $0x0  }
0xbc: {  	s10 =	rddreg [dreg:$0x16];
	[sflag:s22] =	ssyncadd.s32 $0xFFFFC000  }
0xbd: {  	[tilespmem:s21], [sflag:$0x1] =	stream.indirect.gather [hbm4b:s1+s29], $0x80, s10, s29, $0xb8;
	[tilespmem:$0x1CC00] =	vst v63  }
0xbe: {  	_ =	swait.ge [sflag:s0], $0x4000  }
0xbf: {  	[sflag:s0] =	ssyncset.done $0x0  }
0xc0: {  	s20 =	rddreg [dreg:$0x17];
	[sflag:s0] =	ssyncadd.s32 $0xFFFFC000  }
0xc1: {  	[spmem:s5] =	stream.indirect.scatter.add.f32 [tilespmem:s30], [sflag:$0x7], $0x80, s20, s29, $0xb8;
	[tilespmem:$0x1CC00] =	vst v63  }
0xc2: {  	_ =	swait.ge [sflag:s22], $0x4000  }
0xc3: {  	[sflag:s22] =	ssyncset.done $0x0  }
0xc4: {  	s9 =	rddreg [dreg:$0x18];
	[sflag:s22] =	ssyncadd.s32 $0xFFFFC000  }
0xc5: {  	[tilespmem:s30], [sflag:$0x2] =	stream.indirect.gather [hbm4b:s1+s29], $0x80, s9, s29, $0xb8;
	[tilespmem:$0x1CC00] =	vst v63  }
0xc6: {  	_ =	swait.ge [sflag:s31], $0x4000  }
0xc7: {  	[sflag:s31] =	ssyncset.done $0x0  }
0xc8: {  	s10 =	rddreg [dreg:$0x19];
	[sflag:s31] =	ssyncadd.s32 $0xFFFFC000  }
0xc9: {  	[spmem:s5] =	stream.indirect.scatter.add.f32 [tilespmem:s21], [sflag:$0x7], $0x80, s10, s29, $0xb8;
	[tilespmem:$0x1CC00] =	vst v63  }
0xca: {  	_ =	swait.ge [sflag:s22], $0x4000  }
0xcb: {  	[sflag:s22] =	ssyncset.done $0x0  }
0xcc: {  	s20 =	rddreg [dreg:$0x1a];
	[sflag:s22] =	ssyncadd.s32 $0xFFFFC000  }
0xcd: {  	[tilespmem:s21], [sflag:$0x1] =	stream.indirect.gather [hbm4b:s1+s29], $0x80, s20, s29, $0xb8;
	[tilespmem:$0x1CC00] =	vst v63  }
0xce: {  	_ =	swait.ge [sflag:s0], $0x4000  }
0xcf: {  	[sflag:s0] =	ssyncset.done $0x0  }
0xd0: {  	s9 =	rddreg [dreg:$0x1b];
	[sflag:s0] =	ssyncadd.s32 $0xFFFFC000  }
0xd1: {  	[spmem:s5] =	stream.indirect.scatter.add.f32 [tilespmem:s30], [sflag:$0x7], $0x80, s9, s29, $0xb8;
	[tilespmem:$0x1CC00] =	vst v63  }
0xd2: {  	_ =	swait.ge [sflag:s22], $0x4000  }
0xd3: {  	[sflag:s22] =	ssyncset.done $0x0  }
0xd4: {  	s10 =	rddreg [dreg:$0x1c];
	[sflag:s22] =	ssyncadd.s32 $0xFFFFC000  }
0xd5: {  	[tilespmem:s30], [sflag:$0x2] =	stream.indirect.gather [hbm4b:s1+s29], $0x80, s10, s29, $0xb8;
	[tilespmem:$0x1CC00] =	vst v63  }
0xd6: {  	_ =	swait.ge [sflag:s31], $0x4000  }
0xd7: {  	[sflag:s31] =	ssyncset.done $0x0  }
0xd8: {  	s20 =	rddreg [dreg:$0x1d];
	[sflag:s31] =	ssyncadd.s32 $0xFFFFC000  }
0xd9: {  	[spmem:s5] =	stream.indirect.scatter.add.f32 [tilespmem:s21], [sflag:$0x7], $0x80, s20, s29, $0xb8;
	[tilespmem:$0x1CC00] =	vst v63  }
0xda: {  	_ =	swait.ge [sflag:s22], $0x4000  }
0xdb: {  	[sflag:s22] =	ssyncset.done $0x0  }
0xdc: {  	[sflag:s22] =	ssyncadd.s32 $0xFFFFC000  }
0xdd: {  	[tilespmem:s21], [sflag:$0x1] =	stream.indirect.gather [hbm4b:s1+s29], $0x80, s13, s29, $0xb8;
	[tilespmem:$0x1CC00] =	vst v63  }
0xde: {  	_ =	swait.ge [sflag:s0], $0x4000  }
0xdf: {  	[sflag:s0] =	ssyncset.done $0x0  }
0xe0: {  	[sflag:s0] =	ssyncadd.s32 $0xFFFFC000  }
0xe1: {  	[spmem:s5] =	stream.indirect.scatter.add.f32 [tilespmem:s30], [sflag:$0x7], $0x80, s14, s29, $0xb8;
	[tilespmem:$0x1CC00] =	vst v63  }
0xe2: {  	_ =	swait.ge [sflag:s22], $0x4000  }
0xe3: {  	[sflag:s22] =	ssyncset.done $0x0  }
0xe4: {  	[sflag:s22] =	ssyncadd.s32 $0xFFFFC000  }
0xe5: {  	[tilespmem:s30], [sflag:$0x2] =	stream.indirect.gather [hbm4b:s1+s29], $0x80, s15, s29, $0xb8;
	[tilespmem:$0x1CC00] =	vst v63  }
0xe6: {  	_ =	swait.ge [sflag:s31], $0x4000  }
0xe7: {  	[sflag:s31] =	ssyncset.done $0x0  }
0xe8: {  	[sflag:s31] =	ssyncadd.s32 $0xFFFFC000  }
0xe9: {  	[spmem:s5] =	stream.indirect.scatter.add.f32 [tilespmem:s21], [sflag:$0x7], $0x80, s16, s29, $0xb8;
	[tilespmem:$0x1CC00] =	vst v63  }
0xea: {  	_ =	swait.ge [sflag:s22], $0x4000  }
0xeb: {  	[sflag:s22] =	ssyncset.done $0x0  }
0xec: {  	[sflag:s22] =	ssyncadd.s32 $0xFFFFC000  }
0xed: {  	_ =	swait.ge [sflag:s0], $0x4000  }
0xee: {  	[sflag:s0] =	ssyncset.done $0x0  }
0xef: {  	[sflag:s0] =	ssyncadd.s32 $0xFFFFC000  }
0xf0: {  	[spmem:s5] =	stream.indirect.scatter.add.f32 [tilespmem:s30], [sflag:$0x7], $0x80, s17, s29, $0xb8;
	[tilespmem:$0x1CC00] =	vst v63  }
0xf1: {  	_ =	swait.ge [sflag:s22], $0x4000  }
0xf2: {  	s19 =	simm.s32 $0x100;
	s20 =	smov.u32 s8;
	[sflag:s22] =	ssyncset.done $0x0  }
.LBB2_4:
0xf3: {  	[sflag:s22] =	ssyncadd.s32 $0xFFFFC000  }
0xf4: {  	_ =	swait.ge [sflag:s24], $0x400  }
0xf5: {  	[sflag:s24] =	ssyncset.done $0x0  }
0xf6: {  	[sflag:s24] =	ssyncadd.s32 $0xFFFFFC00  }
0xf7: {  	_ =	swait.ge [sflag:s25], $0x400  }
0xf8: {  	s8 =	smov.u32 s19;
	s9 =	rddreg [dreg:$0x7];
	[sflag:s25] =	ssyncset.done $0x0  }
0xf9: {  	s10 =	rddreg [dreg:$0x6];
	[sflag:s25] =	ssyncadd.s32 $0xFFFFFC00;
	s9 =	sadd.s32 s8, s9  }
0xfa: {  	[tilespmem:s26], [sflag:$0x4] =	stream.linear.gather [hbm4b:s9+s6], $0x400, $0x38;
	[tilespmem:$0x1CC00] =	vst v63  }
0xfb: {  	s8 =	sadd.s32 s8, s10  }
0xfc: {  	[tilespmem:s28], [sflag:$0x6] =	stream.linear.gather [hbm4b:s8+s6], $0x400, $0x38;
	[tilespmem:$0x1CC00] =	vst v63  }
0xfd: {  	_ = 	snop  }
0xfe: {  	[tilespmem:s21], [sflag:$0x1] =	stream.indirect.gather [hbm4b:s1+s29], $0x80, s23, s29, $0xb8;
	[tilespmem:$0x1CC00] =	vst v63  }
0xff: {  	s9 =	rddreg [dreg:$0x8]  }
0x100: {  	[tilespmem:s30], [sflag:$0x2] =	stream.indirect.gather [hbm4b:s1+s29], $0x80, s9, s29, $0xb8;
	[tilespmem:$0x1CC00] =	vst v63  }
0x101: {  	_ =	swait.ge [sflag:s31], $0x4000  }
0x102: {  	[sflag:s31] =	ssyncset.done $0x0  }
0x103: {  	[sflag:s31] =	ssyncadd.s32 $0xFFFFC000  }
0x104: {  	[spmem:s5] =	stream.indirect.scatter.add.f32 [tilespmem:s21], [sflag:$0x7], $0x80, s6, s29, $0xb8;
	[tilespmem:$0x1CC00] =	vst v63  }
0x105: {  	_ =	swait.ge [sflag:s22], $0x4000  }
0x106: {  	[sflag:s22] =	ssyncset.done $0x0  }
0x107: {  	s10 =	rddreg [dreg:$0x9];
	[sflag:s22] =	ssyncadd.s32 $0xFFFFC000  }
0x108: {  	[tilespmem:s21], [sflag:$0x1] =	stream.indirect.gather [hbm4b:s1+s29], $0x80, s10, s29, $0xb8;
	[tilespmem:$0x1CC00] =	vst v63  }
0x109: {  	_ =	swait.ge [sflag:s0], $0x4000  }
0x10a: {  	[sflag:s0] =	ssyncset.done $0x0  }
0x10b: {  	[sflag:s0] =	ssyncadd.s32 $0xFFFFC000  }
0x10c: {  	[spmem:s5] =	stream.indirect.scatter.add.f32 [tilespmem:s30], [sflag:$0x7], $0x80, s29, s29, $0xb8;
	[tilespmem:$0x1CC00] =	vst v63  }
0x10d: {  	_ =	swait.ge [sflag:s22], $0x4000  }
0x10e: {  	[sflag:s22] =	ssyncset.done $0x0  }
0x10f: {  	s9 =	rddreg [dreg:$0xa];
	[sflag:s22] =	ssyncadd.s32 $0xFFFFC000  }
0x110: {  	[tilespmem:s30], [sflag:$0x2] =	stream.indirect.gather [hbm4b:s1+s29], $0x80, s9, s29, $0xb8;
	[tilespmem:$0x1CC00] =	vst v63  }
0x111: {  	_ =	swait.ge [sflag:s31], $0x4000  }
0x112: {  	[sflag:s31] =	ssyncset.done $0x0  }
0x113: {  	s10 =	rddreg [dreg:$0xb];
	[sflag:s31] =	ssyncadd.s32 $0xFFFFC000  }
0x114: {  	[spmem:s5] =	stream.indirect.scatter.add.f32 [tilespmem:s21], [sflag:$0x7], $0x80, s10, s29, $0xb8;
	[tilespmem:$0x1CC00] =	vst v63  }
0x115: {  	_ =	swait.ge [sflag:s22], $0x4000  }
0x116: {  	[sflag:s22] =	ssyncset.done $0x0  }
0x117: {  	s9 =	rddreg [dreg:$0xc];
	[sflag:s22] =	ssyncadd.s32 $0xFFFFC000  }
0x118: {  	[tilespmem:s21], [sflag:$0x1] =	stream.indirect.gather [hbm4b:s1+s29], $0x80, s9, s29, $0xb8;
	[tilespmem:$0x1CC00] =	vst v63  }
0x119: {  	_ =	swait.ge [sflag:s0], $0x4000  }
0x11a: {  	[sflag:s0] =	ssyncset.done $0x0  }
0x11b: {  	s10 =	rddreg [dreg:$0xd];
	[sflag:s0] =	ssyncadd.s32 $0xFFFFC000  }
0x11c: {  	[spmem:s5] =	stream.indirect.scatter.add.f32 [tilespmem:s30], [sflag:$0x7], $0x80, s10, s29, $0xb8;
	[tilespmem:$0x1CC00] =	vst v63  }
0x11d: {  	_ =	swait.ge [sflag:s22], $0x4000  }
0x11e: {  	[sflag:s22] =	ssyncset.done $0x0  }
0x11f: {  	s9 =	rddreg [dreg:$0xe];
	[sflag:s22] =	ssyncadd.s32 $0xFFFFC000  }
0x120: {  	[tilespmem:s30], [sflag:$0x2] =	stream.indirect.gather [hbm4b:s1+s29], $0x80, s9, s29, $0xb8;
	[tilespmem:$0x1CC00] =	vst v63  }
0x121: {  	_ =	swait.ge [sflag:s31], $0x4000  }
0x122: {  	[sflag:s31] =	ssyncset.done $0x0  }
0x123: {  	s10 =	rddreg [dreg:$0xf];
	[sflag:s31] =	ssyncadd.s32 $0xFFFFC000  }
0x124: {  	[spmem:s5] =	stream.indirect.scatter.add.f32 [tilespmem:s21], [sflag:$0x7], $0x80, s10, s29, $0xb8;
	[tilespmem:$0x1CC00] =	vst v63  }
0x125: {  	_ =	swait.ge [sflag:s22], $0x4000  }
0x126: {  	[sflag:s22] =	ssyncset.done $0x0  }
0x127: {  	s9 =	rddreg [dreg:$0x10];
	[sflag:s22] =	ssyncadd.s32 $0xFFFFC000  }
0x128: {  	[tilespmem:s21], [sflag:$0x1] =	stream.indirect.gather [hbm4b:s1+s29], $0x80, s9, s29, $0xb8;
	[tilespmem:$0x1CC00] =	vst v63  }
0x129: {  	_ =	swait.ge [sflag:s0], $0x4000  }
0x12a: {  	[sflag:s0] =	ssyncset.done $0x0  }
0x12b: {  	s10 =	rddreg [dreg:$0x11];
	[sflag:s0] =	ssyncadd.s32 $0xFFFFC000  }
0x12c: {  	[spmem:s5] =	stream.indirect.scatter.add.f32 [tilespmem:s30], [sflag:$0x7], $0x80, s10, s29, $0xb8;
	[tilespmem:$0x1CC00] =	vst v63  }
0x12d: {  	_ =	swait.ge [sflag:s22], $0x4000  }
0x12e: {  	[sflag:s22] =	ssyncset.done $0x0  }
0x12f: {  	s9 =	rddreg [dreg:$0x12];
	[sflag:s22] =	ssyncadd.s32 $0xFFFFC000  }
0x130: {  	[tilespmem:s30], [sflag:$0x2] =	stream.indirect.gather [hbm4b:s1+s29], $0x80, s9, s29, $0xb8;
	[tilespmem:$0x1CC00] =	vst v63  }
0x131: {  	_ =	swait.ge [sflag:s31], $0x4000  }
0x132: {  	[sflag:s31] =	ssyncset.done $0x0  }
0x133: {  	s10 =	rddreg [dreg:$0x13];
	[sflag:s31] =	ssyncadd.s32 $0xFFFFC000  }
0x134: {  	[spmem:s5] =	stream.indirect.scatter.add.f32 [tilespmem:s21], [sflag:$0x7], $0x80, s10, s29, $0xb8;
	[tilespmem:$0x1CC00] =	vst v63  }
0x135: {  	_ =	swait.ge [sflag:s22], $0x4000  }
0x136: {  	[sflag:s22] =	ssyncset.done $0x0  }
0x137: {  	[sflag:s22] =	ssyncadd.s32 $0xFFFFC000  }
0x138: {  	_ =	swait.ge [sflag:s0], $0x4000  }
0x139: {  	[sflag:s0] =	ssyncset.done $0x0  }
0x13a: {  	s9 =	rddreg [dreg:$0x14];
	[sflag:s0] =	ssyncadd.s32 $0xFFFFC000  }
0x13b: {  	[spmem:s5] =	stream.indirect.scatter.add.f32 [tilespmem:s30], [sflag:$0x7], $0x80, s9, s29, $0xb8;
	[tilespmem:$0x1CC00] =	vst v63  }
0x13c: {  	_ =	swait.ge [sflag:s22], $0x4000  }
0x13d: {  	[sflag:s22] =	ssyncset.done $0x0  }
0x13e: {  	[sflag:s22] =	ssyncadd.s32 $0xFFFFC000  }
0x13f: {  	_ =	swait.ge [sflag:s4], $0x400  }
0x140: {  	[sflag:s4] =	ssyncset.done $0x0  }
0x141: {  	[sflag:s4] =	ssyncadd.s32 $0xFFFFFC00  }
0x142: {  	s20 =	sadd.s32 $0x800, s20;
	_ =	swait.ge [sflag:s12], $0x400  }
0x143: {  	s8 =	sshrl.u32 s20, $0x3;
	[sflag:s12] =	ssyncset.done $0x0  }
0x144: {  	s10 =	sadd.s32 s2, s8;
	[sflag:s12] =	ssyncadd.s32 $0xFFFFFC00  }
0x145: {  	[tilespmem:s6], [sflag:$0x3] =	stream.linear.gather [hbm4b:s10+s6], $0x400, $0x38;
	[tilespmem:$0x1CC00] =	vst v63  }
0x146: {  	s8 =	sadd.s32 s3, s8  }
0x147: {  	[tilespmem:s23], [sflag:$0x5] =	stream.linear.gather [hbm4b:s8+s6], $0x400, $0x38;
	[tilespmem:$0x1CC00] =	vst v63  }
0x148: {  	_ = 	snop  }
0x149: {  	[tilespmem:s21], [sflag:$0x1] =	stream.indirect.gather [hbm4b:s1+s29], $0x80, s28, s29, $0xb8;
	[tilespmem:$0x1CC00] =	vst v63  }
0x14a: {  	s10 =	rddreg [dreg:$0x15]  }
0x14b: {  	[tilespmem:s30], [sflag:$0x2] =	stream.indirect.gather [hbm4b:s1+s29], $0x80, s10, s29, $0xb8;
	[tilespmem:$0x1CC00] =	vst v63  }
0x14c: {  	_ =	swait.ge [sflag:s31], $0x4000  }
0x14d: {  	[sflag:s31] =	ssyncset.done $0x0  }
0x14e: {  	[sflag:s31] =	ssyncadd.s32 $0xFFFFC000  }
0x14f: {  	[spmem:s5] =	stream.indirect.scatter.add.f32 [tilespmem:s21], [sflag:$0x7], $0x80, s26, s29, $0xb8;
	[tilespmem:$0x1CC00] =	vst v63  }
0x150: {  	_ =	swait.ge [sflag:s22], $0x4000  }
0x151: {  	[sflag:s22] =	ssyncset.done $0x0  }
0x152: {  	s9 =	rddreg [dreg:$0x16];
	[sflag:s22] =	ssyncadd.s32 $0xFFFFC000  }
0x153: {  	[tilespmem:s21], [sflag:$0x1] =	stream.indirect.gather [hbm4b:s1+s29], $0x80, s9, s29, $0xb8;
	[tilespmem:$0x1CC00] =	vst v63  }
0x154: {  	_ =	swait.ge [sflag:s0], $0x4000  }
0x155: {  	[sflag:s0] =	ssyncset.done $0x0  }
0x156: {  	s10 =	rddreg [dreg:$0x17];
	[sflag:s0] =	ssyncadd.s32 $0xFFFFC000  }
0x157: {  	[spmem:s5] =	stream.indirect.scatter.add.f32 [tilespmem:s30], [sflag:$0x7], $0x80, s10, s29, $0xb8;
	[tilespmem:$0x1CC00] =	vst v63  }
0x158: {  	_ =	swait.ge [sflag:s22], $0x4000  }
0x159: {  	[sflag:s22] =	ssyncset.done $0x0  }
0x15a: {  	s9 =	rddreg [dreg:$0x18];
	[sflag:s22] =	ssyncadd.s32 $0xFFFFC000  }
0x15b: {  	[tilespmem:s30], [sflag:$0x2] =	stream.indirect.gather [hbm4b:s1+s29], $0x80, s9, s29, $0xb8;
	[tilespmem:$0x1CC00] =	vst v63  }
0x15c: {  	_ =	swait.ge [sflag:s31], $0x4000  }
0x15d: {  	[sflag:s31] =	ssyncset.done $0x0  }
0x15e: {  	s10 =	rddreg [dreg:$0x19];
	[sflag:s31] =	ssyncadd.s32 $0xFFFFC000  }
0x15f: {  	[spmem:s5] =	stream.indirect.scatter.add.f32 [tilespmem:s21], [sflag:$0x7], $0x80, s10, s29, $0xb8;
	[tilespmem:$0x1CC00] =	vst v63  }
0x160: {  	_ =	swait.ge [sflag:s22], $0x4000  }
0x161: {  	[sflag:s22] =	ssyncset.done $0x0  }
0x162: {  	s9 =	rddreg [dreg:$0x1a];
	[sflag:s22] =	ssyncadd.s32 $0xFFFFC000  }
0x163: {  	[tilespmem:s21], [sflag:$0x1] =	stream.indirect.gather [hbm4b:s1+s29], $0x80, s9, s29, $0xb8;
	[tilespmem:$0x1CC00] =	vst v63  }
0x164: {  	_ =	swait.ge [sflag:s0], $0x4000  }
0x165: {  	[sflag:s0] =	ssyncset.done $0x0  }
0x166: {  	s10 =	rddreg [dreg:$0x1b];
	[sflag:s0] =	ssyncadd.s32 $0xFFFFC000  }
0x167: {  	[spmem:s5] =	stream.indirect.scatter.add.f32 [tilespmem:s30], [sflag:$0x7], $0x80, s10, s29, $0xb8;
	[tilespmem:$0x1CC00] =	vst v63  }
0x168: {  	_ =	swait.ge [sflag:s22], $0x4000  }
0x169: {  	[sflag:s22] =	ssyncset.done $0x0  }
0x16a: {  	s9 =	rddreg [dreg:$0x1c];
	[sflag:s22] =	ssyncadd.s32 $0xFFFFC000  }
0x16b: {  	[tilespmem:s30], [sflag:$0x2] =	stream.indirect.gather [hbm4b:s1+s29], $0x80, s9, s29, $0xb8;
	[tilespmem:$0x1CC00] =	vst v63  }
0x16c: {  	_ =	swait.ge [sflag:s31], $0x4000  }
0x16d: {  	[sflag:s31] =	ssyncset.done $0x0  }
0x16e: {  	s10 =	rddreg [dreg:$0x1d];
	[sflag:s31] =	ssyncadd.s32 $0xFFFFC000  }
0x16f: {  	[spmem:s5] =	stream.indirect.scatter.add.f32 [tilespmem:s21], [sflag:$0x7], $0x80, s10, s29, $0xb8;
	[tilespmem:$0x1CC00] =	vst v63  }
0x170: {  	_ =	swait.ge [sflag:s22], $0x4000  }
0x171: {  	[sflag:s22] =	ssyncset.done $0x0  }
0x172: {  	[sflag:s22] =	ssyncadd.s32 $0xFFFFC000  }
0x173: {  	[tilespmem:s21], [sflag:$0x1] =	stream.indirect.gather [hbm4b:s1+s29], $0x80, s13, s29, $0xb8;
	[tilespmem:$0x1CC00] =	vst v63  }
0x174: {  	_ =	swait.ge [sflag:s0], $0x4000  }
0x175: {  	[sflag:s0] =	ssyncset.done $0x0  }
0x176: {  	[sflag:s0] =	ssyncadd.s32 $0xFFFFC000  }
0x177: {  	[spmem:s5] =	stream.indirect.scatter.add.f32 [tilespmem:s30], [sflag:$0x7], $0x80, s14, s29, $0xb8;
	[tilespmem:$0x1CC00] =	vst v63  }
0x178: {  	_ =	swait.ge [sflag:s22], $0x4000  }
0x179: {  	[sflag:s22] =	ssyncset.done $0x0  }
0x17a: {  	[sflag:s22] =	ssyncadd.s32 $0xFFFFC000  }
0x17b: {  	[tilespmem:s30], [sflag:$0x2] =	stream.indirect.gather [hbm4b:s1+s29], $0x80, s15, s29, $0xb8;
	[tilespmem:$0x1CC00] =	vst v63  }
0x17c: {  	_ =	swait.ge [sflag:s31], $0x4000  }
0x17d: {  	[sflag:s31] =	ssyncset.done $0x0  }
0x17e: {  	[sflag:s31] =	ssyncadd.s32 $0xFFFFC000  }
0x17f: {  	[spmem:s5] =	stream.indirect.scatter.add.f32 [tilespmem:s21], [sflag:$0x7], $0x80, s16, s29, $0xb8;
	[tilespmem:$0x1CC00] =	vst v63  }
0x180: {  	_ =	swait.ge [sflag:s22], $0x4000  }
0x181: {  	[sflag:s22] =	ssyncset.done $0x0  }
0x182: {  	[sflag:s22] =	ssyncadd.s32 $0xFFFFC000  }
0x183: {  	p0 =	sne.s32 s19, $0x400;
	_ =	swait.ge [sflag:s0], $0x4000  }
.Ltmp1:
0x184: {  	[sflag:s0] =	ssyncset.done $0x0;
	(pc) =	sbr.rel @p0 .LBB2_4-.Ltmp1, $4  }
0x185: {  	[sflag:s0] =	ssyncadd.s32 $0xFFFFC000  }
0x186: {  	[spmem:s5] =	stream.indirect.scatter.add.f32 [tilespmem:s30], [sflag:$0x7], $0x80, s17, s29, $0xb8;
	[tilespmem:$0x1CC00] =	vst v63  }
0x187: {  	_ =	swait.ge [sflag:s22], $0x4000  }
0x188: {  	s19 =	sadd.s32 $0x100, s19;
	[sflag:s22] =	ssyncset.done $0x0  }
0x189: {  	[sflag:s22] =	ssyncadd.s32 $0xFFFFC000  }
0x18a: {  	_ =	swait.ge [sflag:s24], $0x400  }
0x18b: {  	[sflag:s24] =	ssyncset.done $0x0  }
0x18c: {  	[sflag:s24] =	ssyncadd.s32 $0xFFFFFC00  }
0x18d: {  	_ =	swait.ge [sflag:s25], $0x400  }
0x18e: {  	[sflag:s25] =	ssyncset.done $0x0  }
0x18f: {  	[sflag:s25] =	ssyncadd.s32 $0xFFFFFC00  }
0x190: {  	[bflag:$0x0] =	sbarrier.arrive $0xFFFF  }
0x191: {  	[tilespmem:s21], [sflag:$0x7] =	stream.linear.gather [spmem:s11], $0x4000, $0x38;
	[tilespmem:$0x1CC00] =	vst v63  }
0x192: {  	_ =	swait.ge [sflag:s22], $0x4000  }
0x193: {  	s9 =	sld [smem:$0x7F7]  }
0x194: {  	[sflag:s22] =	ssyncset.done $0x0  }
0x195: {  	[sflag:s22] =	ssyncadd.s32 $0xFFFFC000  }
0x196: {  	[hbm4b:s9+s6] =	stream.linear.scatter [tilespmem:s21], [sflag:$0x1], $0x4000, $0x38;
	[tilespmem:$0x1CC00] =	vst v63  }
0x197: {  	s10 =	rddreg [dreg:$0x1e]  }
0x198: {  	[tilespmem:s30], [sflag:$0x7] =	stream.linear.gather [spmem:s10], $0x4000, $0x38;
	[tilespmem:$0x1CC00] =	vst v63  }
0x199: {  	_ =	swait.ge [sflag:s22], $0x4000  }
0x19a: {  	s8 =	smov.u32 s11;
	s11 =	sld [smem:$0x7F8]  }
0x19b: {  	[sflag:s22] =	ssyncset.done $0x0  }
0x19c: {  	[sflag:s22] =	ssyncadd.s32 $0xFFFFC000  }
0x19d: {  	[hbm4b:s11+s6] =	stream.linear.scatter [tilespmem:s30], [sflag:$0x2], $0x4000, $0x38;
	[tilespmem:$0x1CC00] =	vst v63  }
0x19e: {  	_ =	swait.ge [sflag:s31], $0x4000  }
0x19f: {  	[sflag:s31] =	ssyncset.done $0x0  }
0x1a0: {  	[sflag:s31] =	ssyncadd.s32 $0xFFFFC000  }
0x1a1: {  	[tilespmem:s21], [sflag:$0x7] =	stream.linear.gather [spmem:s7], $0x4000, $0x38;
	[tilespmem:$0x1CC00] =	vst v63  }
0x1a2: {  	_ =	swait.ge [sflag:s22], $0x4000  }
0x1a3: {  	s19 =	sld [smem:$0x7F9]  }
0x1a4: {  	[sflag:s22] =	ssyncset.done $0x0  }
0x1a5: {  	[sflag:s22] =	ssyncadd.s32 $0xFFFFC000  }
0x1a6: {  	[hbm4b:s19+s6] =	stream.linear.scatter [tilespmem:s21], [sflag:$0x1], $0x4000, $0x38;
	[tilespmem:$0x1CC00] =	vst v63  }
0x1a7: {  	_ =	swait.ge [sflag:s0], $0x4000  }
0x1a8: {  	[sflag:s0] =	ssyncset.done $0x0  }
0x1a9: {  	s10 =	rddreg [dreg:$0x1f];
	[sflag:s0] =	ssyncadd.s32 $0xFFFFC000  }
0x1aa: {  	[tilespmem:s30], [sflag:$0x7] =	stream.linear.gather [spmem:s10], $0x4000, $0x38;
	[tilespmem:$0x1CC00] =	vst v63  }
0x1ab: {  	_ =	swait.ge [sflag:s22], $0x4000  }
0x1ac: {  	s20 =	sld [smem:$0x7FA]  }
0x1ad: {  	[sflag:s22] =	ssyncset.done $0x0  }
0x1ae: {  	[sflag:s22] =	ssyncadd.s32 $0xFFFFC000  }
0x1af: {  	[hbm4b:s20+s6] =	stream.linear.scatter [tilespmem:s30], [sflag:$0x2], $0x4000, $0x38;
	[tilespmem:$0x1CC00] =	vst v63  }
0x1b0: {  	_ =	swait.ge [sflag:s31], $0x4000  }
0x1b1: {  	s11 =	sld [smem:$0x7F4]  }
0x1b2: {  	[sflag:s31] =	ssyncset.done $0x0  }
0x1b3: {  	[sflag:s31] =	ssyncadd.s32 $0xFFFFC000  }
0x1b4: {  	[tilespmem:s21], [sflag:$0x7] =	stream.linear.gather [spmem:s11], $0x3C00, $0x38;
	[tilespmem:$0x1CC00] =	vst v63  }
0x1b5: {  	_ =	swait.ge [sflag:s22], $0x3C00  }
0x1b6: {  	s19 =	sld [smem:$0x7FB]  }
0x1b7: {  	[sflag:s22] =	ssyncset.done $0x0  }
0x1b8: {  	[sflag:s22] =	ssyncadd.s32 $0xFFFFC400  }
0x1b9: {  	[hbm4b:s19+s6] =	stream.linear.scatter [tilespmem:s21], [sflag:$0x1], $0x3C00, $0x38;
	[tilespmem:$0x1CC00] =	vst v63  }
0x1ba: {  	_ =	swait.ge [sflag:s31], $0x3C00  }
0x1bb: {  	[sflag:s31] =	ssyncset.done $0x0  }
0x1bc: {  	[sflag:s31] =	ssyncadd.s32 $0xFFFFC400  }
0x1bd: {  	_ =	swait.ge [sflag:s0], $0x4000  }
0x1be: {  	s20 =	sld [smem:$0x7FC];
	_ =	sdelay $0x1  }
0x1bf: {  	s18 =	sadd.s32 $0x1, s18  }
0x1c0: {  	p0 =	sne.s32 s18, s20  }
.Ltmp2:
0x1c1: {  	_ = 	snop;
	(pc) =	sbr.rel @p0 .LBB2_1-.Ltmp2, $3  }
0x1c2: {  	_ =	sdelay $0x1  }
0x1c3: {  	[sflag:s0] =	ssyncset.done $0x0  }
0x1c4: {  	s9 =	smov.u32 s7;
	[sflag:s0] =	ssyncadd.s32 $0xFFFFC000  }
0x1c5: {  	_ =	sfence.sel $0x180000  }
0x1c6: {  	[bflag:$0x0] =	sbarrier.arrive $0xFFFF  }
0x1c7: {  	_ =	strace $0x90000047  }
0x1c8: {  	s0 =	stileid.u32;
	[bflag:$0x2] =	sbarrier.arrive $0xFFFF  }
0x1c9: {  	p0 =	sne.s32 s0, $0x0;
	s0 =	rddreg [dreg:$0x5]  }
0x1ca: {  	s0 =	sadd.s32 @!p0 $0x100000, s0  }
0x1cb: {  	[sflag:s0] =	ssyncadd.tile.s32 @!p0 $0x1;
	_ =	shalt  }
.Lfunc_end2:
_tile_overlayer_lowered:
.L_overlay_start_2:
0x1cc: {  	(tag) =	ssettag $0x2  }
0x1cd: {  	s0 =	rddreg [dreg:$0x0];
	s2 =	stileid.u32  }
0x1ce: {  	s1 =	rddreg [dreg:$0x1];
	p0 =	sne.s32 s2, $0x0  }
0x1cf: {  	s3 =	rddreg [dreg:$0x2];
	[bflag:$0x3] =	sbarrier.arrive $0xFFFF;
	s2 =	simm.s32 @!p0 $0x1C07  }
0x1d0: {  	[timem:s3], [sflag:s2] =	dma.local @!p0 [hbm:s0], s1  }
0x1d1: {  	s0 =	simm.s32 @!p0 $0x7  }
0x1d2: {  	_ =	swait.ge @!p0 [sflag:s0], s1  }
0x1d3: {  	s1 =	ssub.s32 @!p0 $0x0, s1;
	[sflag:s0] =	ssyncset.done @!p0 $0x0  }
0x1d4: {  	[sflag:s0] =	ssyncadd.s32 @!p0 s1  }
0x1d5: {  	[bflag:$0x3] =	sbarrier.arrive $0xFFFF  }
0x1d6: {  	_ =	shalt  }

</sc_bundles>
